<compile_context>
chip_gen: v7x
topology: tpu7x:2x2x1
jax: 0.10.2.dev20260603
libtpu: 0.0.44.dev20260713+nightly
codegen_flags: <defaults>
</compile_context>

<pallas_src>
import functools

import jax
import jax.numpy as jnp
from jax import lax
from jax.experimental import pallas as pl
from jax.experimental.pallas import tpu as pltpu
from jax.experimental.pallas import tpu_sc as plsc

N = 10000
E = 320000
F = 128

NC = 2
NS = 16
NW = NC * NS
EPW = E // NW
CH = 80
NIT = EPW // CH
NP = 10240
RPT = NP // NS
ZB = 128

_mesh = plsc.VectorSubcoreMesh(
    core_axis_name="c", subcore_axis_name="s", num_cores=NC, num_subcores=NS
)


@functools.partial(
    pl.kernel,
    mesh=_mesh,
    out_type=jax.ShapeDtypeStruct((NC, NP, 16), jnp.float32),
    scratch_types=[
        pltpu.VMEM_SHARED((NP, 16), jnp.float32),
        pltpu.VMEM((CH,), jnp.int32),
        pltpu.VMEM((CH, 16), jnp.float32),
        pltpu.VMEM((ZB, 16), jnp.float32),
    ],
)
def _deg_kernel(dst_hbm, out_hbm, acc_sh, dsti_v, ones_v, zero_v):
    c = lax.axis_index("c")
    s = lax.axis_index("s")
    wid = s * NC + c

    @pl.loop(0, ZB)
    def _(r):
        zero_v[r, :] = jnp.zeros((16,), jnp.float32)

    @pl.loop(0, CH)
    def _(r):
        ones_v[r, :] = jnp.full((16,), 1.0, jnp.float32)

    for k in range(RPT // ZB):
        pltpu.sync_copy(zero_v, acc_sh.at[pl.ds(s * RPT + k * ZB, ZB)])
    plsc.subcore_barrier()

    @pl.loop(0, NIT)
    def _(j):
        base = wid * EPW + j * CH
        pltpu.sync_copy(dst_hbm.at[pl.ds(base, CH)], dsti_v)
        pltpu.sync_copy(ones_v, acc_sh.at[dsti_v], add=True)

    plsc.subcore_barrier()
    for k in range(RPT // ZB):
        off = s * RPT + k * ZB
        pltpu.sync_copy(acc_sh.at[pl.ds(off, ZB)], out_hbm.at[c, pl.ds(off, ZB)])


@functools.partial(
    pl.kernel,
    mesh=_mesh,
    out_type=jax.ShapeDtypeStruct((NC, NP, F), jnp.float32),
    scratch_types=[
        pltpu.VMEM_SHARED((NP, F), jnp.float32),
        pltpu.VMEM((CH,), jnp.int32),
        pltpu.VMEM((CH,), jnp.int32),
        pltpu.VMEM((CH, F), jnp.float32),
        pltpu.VMEM((ZB, F), jnp.float32),
        pltpu.SemaphoreType.DMA,
    ],
)
def _scatter_kernel(y_hbm, src_hbm, dst_hbm, out_hbm,
                    acc_sh, srci_v, dsti_v, rows_v, zero_v, sem):
    c = lax.axis_index("c")
    s = lax.axis_index("s")
    wid = s * NC + c

    @pl.loop(0, ZB)
    def _(r):
        for cix in range(F // 16):
            zero_v[r, pl.ds(cix * 16, 16)] = jnp.zeros((16,), jnp.float32)

    for k in range(RPT // ZB):
        pltpu.sync_copy(zero_v, acc_sh.at[pl.ds(s * RPT + k * ZB, ZB)])
    plsc.subcore_barrier()

    @pl.loop(0, NIT)
    def _(j):
        base = wid * EPW + j * CH
        pltpu.sync_copy(src_hbm.at[pl.ds(base, CH)], srci_v)
        pltpu.sync_copy(dst_hbm.at[pl.ds(base, CH)], dsti_v)
        pltpu.async_copy(y_hbm.at[srci_v], rows_v, sem).wait()
        pltpu.sync_copy(rows_v, acc_sh.at[dsti_v], add=True)

    plsc.subcore_barrier()
    for k in range(RPT // ZB):
        off = s * RPT + k * ZB
        pltpu.sync_copy(acc_sh.at[pl.ds(off, ZB)], out_hbm.at[c, pl.ds(off, ZB)])


BLK = 1000
GRID = N // BLK


def _dinv_of(dp):
    deg = dp[0, :, 0] + dp[1, :, 0] + 1.0
    return lax.rsqrt(deg)


def _mm(a, b):
    return jnp.dot(a, b, preferred_element_type=jnp.float32,
                   precision=lax.Precision.HIGHEST)


def _prep_body(x_ref, w1_ref, dp_ref, xw_ref, y_ref):
    xw = _mm(x_ref[...], w1_ref[...])
    dinv = _dinv_of(dp_ref[...])
    xw_ref[...] = xw
    y_ref[...] = xw * dinv[:, None]


def _prep_call(x, W1, deg_parts):
    return pl.pallas_call(
        _prep_body,
        grid=(GRID,),
        in_specs=[
            pl.BlockSpec((BLK, F), lambda i: (i, 0)),
            pl.BlockSpec((F, F), lambda i: (0, 0)),
            pl.BlockSpec((NC, BLK, 16), lambda i: (0, i, 0)),
        ],
        out_specs=[
            pl.BlockSpec((BLK, F), lambda i: (i, 0)),
            pl.BlockSpec((BLK, F), lambda i: (i, 0)),
        ],
        out_shape=[
            jax.ShapeDtypeStruct((N, F), jnp.float32),
            jax.ShapeDtypeStruct((N, F), jnp.float32),
        ],
    )(x, W1, deg_parts)


def _mid_body(acc_ref, xw_ref, dp_ref, b_ref, w2_ref, xw2_ref, y2_ref):
    dinv = _dinv_of(dp_ref[...])[:, None]
    acc = acc_ref[0] + acc_ref[1]
    h = jax.nn.relu(dinv * acc + dinv * dinv * xw_ref[...] + b_ref[...])
    xw2 = _mm(h, w2_ref[...])
    xw2_ref[...] = xw2
    y2_ref[...] = xw2 * dinv


def _mid_call(acc1, xw1, deg_parts, b1, W2):
    return pl.pallas_call(
        _mid_body,
        grid=(GRID,),
        in_specs=[
            pl.BlockSpec((NC, BLK, F), lambda i: (0, i, 0)),
            pl.BlockSpec((BLK, F), lambda i: (i, 0)),
            pl.BlockSpec((NC, BLK, 16), lambda i: (0, i, 0)),
            pl.BlockSpec((1, F), lambda i: (0, 0)),
            pl.BlockSpec((F, F), lambda i: (0, 0)),
        ],
        out_specs=[
            pl.BlockSpec((BLK, F), lambda i: (i, 0)),
            pl.BlockSpec((BLK, F), lambda i: (i, 0)),
        ],
        out_shape=[
            jax.ShapeDtypeStruct((N, F), jnp.float32),
            jax.ShapeDtypeStruct((N, F), jnp.float32),
        ],
    )(acc1, xw1, deg_parts, b1.reshape(1, F), W2)


def _fin_body(acc_ref, xw_ref, dp_ref, b_ref, wfc_ref, bfc_ref, out_ref, sum_v):
    i = pl.program_id(0)
    dinv = _dinv_of(dp_ref[...])[:, None]
    acc = acc_ref[0] + acc_ref[1]
    h = jax.nn.relu(dinv * acc + dinv * dinv * xw_ref[...] + b_ref[...])
    part = jnp.sum(h, axis=0, keepdims=True)

    @pl.when(i == 0)
    def _():
        sum_v[...] = part

    @pl.when(i > 0)
    def _():
        sum_v[...] = sum_v[...] + part

    @pl.when(i == GRID - 1)
    def _():
        pooled = sum_v[...] * (1.0 / N)
        out_ref[...] = _mm(pooled, wfc_ref[...]) + bfc_ref[...]


def _fin_call(acc2, xw2, deg_parts, b2, Wfc, bfc):
    out_ch = Wfc.shape[1]
    return pl.pallas_call(
        _fin_body,
        grid=(GRID,),
        in_specs=[
            pl.BlockSpec((NC, BLK, F), lambda i: (0, i, 0)),
            pl.BlockSpec((BLK, F), lambda i: (i, 0)),
            pl.BlockSpec((NC, BLK, 16), lambda i: (0, i, 0)),
            pl.BlockSpec((1, F), lambda i: (0, 0)),
            pl.BlockSpec((F, out_ch), lambda i: (0, 0)),
            pl.BlockSpec((1, out_ch), lambda i: (0, 0)),
        ],
        out_specs=pl.BlockSpec((1, out_ch), lambda i: (0, 0)),
        out_shape=jax.ShapeDtypeStruct((1, out_ch), jnp.float32),
        scratch_shapes=[pltpu.VMEM((1, F), jnp.float32)],
    )(acc2, xw2, deg_parts, b2.reshape(1, F), Wfc, bfc.reshape(1, out_ch))


def kernel(x, edge_index, batch, W1, b1, W2, b2, Wfc, bfc):
    src = edge_index[0]
    dst = edge_index[1]

    deg_parts = _deg_kernel(dst)
    xw1, y1 = _prep_call(x, W1, deg_parts)
    acc1 = _scatter_kernel(y1, src, dst)
    xw2, y2 = _mid_call(acc1, xw1, deg_parts, b1, W2)
    acc2 = _scatter_kernel(y2, src, dst)
    return _fin_call(acc2, xw2, deg_parts, b2, Wfc, bfc)

# --- scband reference (transcript-rebuilt; emitter-appended) ---
"""Pipeline reference for scband-gcn-13039520711474 (READ-ONLY COPY).

The authoritative reference and input builder live on the scoring server;
editing this copy changes nothing except your own understanding.
"""

import jax, jax.numpy as jnp
import numpy as np

N = 10000
E = 320000
IN_CH = 128
HID = 128
OUT = 64


def setup_inputs(seed: int = 0) -> dict:
    key = jax.random.key(seed)
    ks = jax.random.split(key, 9)
    x = jax.random.normal(ks[0], (N, IN_CH), dtype=jnp.float32)
    edge_index = jax.random.randint(ks[1], (2, E), 0, N, dtype=jnp.int32)
    batch = jnp.zeros((N,), dtype=jnp.int32)
    W1 = jax.random.normal(ks[2], (IN_CH, HID), dtype=jnp.float32) * (1.0 / np.sqrt(IN_CH))
    b1 = jnp.zeros((HID,), dtype=jnp.float32)
    W2 = jax.random.normal(ks[3], (HID, HID), dtype=jnp.float32) * (1.0 / np.sqrt(HID))
    b2 = jnp.zeros((HID,), dtype=jnp.float32)
    Wfc = jax.random.normal(ks[4], (HID, OUT), dtype=jnp.float32) * (1.0 / np.sqrt(HID))
    bfc = jnp.zeros((OUT,), dtype=jnp.float32)
    return {"x": x, "edge_index": edge_index, "batch": batch,
            "W1": W1, "b1": b1, "W2": W2, "b2": b2, "Wfc": Wfc, "bfc": bfc}


def gcn_conv(x, edge_index, W, b):
    # GCNConv: add self-loops, symmetric normalization D^-1/2 (A+I) D^-1/2, then linear
    n = x.shape[0]
    src = edge_index[0]
    dst = edge_index[1]
    sl = jnp.arange(n, dtype=src.dtype)
    src = jnp.concatenate([src, sl])
    dst = jnp.concatenate([dst, sl])
    deg = jnp.zeros((n,), jnp.float32).at[dst].add(1.0)
    deg_inv_sqrt = jnp.where(deg > 0, jax.lax.rsqrt(jnp.maximum(deg, 1e-12)), 0.0)
    norm = deg_inv_sqrt[src] * deg_inv_sqrt[dst]
    xw = x @ W
    msg = xw[src] * norm[:, None]
    out = jnp.zeros((n, W.shape[1]), jnp.float32).at[dst].add(msg)
    return out + b


def reference(x, edge_index, batch, W1, b1, W2, b2, Wfc, bfc):
    h = jax.nn.relu(gcn_conv(x, edge_index, W1, b1))
    h = jax.nn.relu(gcn_conv(h, edge_index, W2, b2))
    num_graphs = 1
    sums = jax.ops.segment_sum(h, batch, num_segments=num_graphs)
    cnts = jax.ops.segment_sum(jnp.ones((h.shape[0], 1), jnp.float32), batch, num_segments=num_graphs)
    pooled = sums / jnp.maximum(cnts, 1.0)
    return pooled @ Wfc + bfc

if __name__ == "__main__":
    import jax
    _d = setup_inputs()
    print(jax.jit(kernel)(*tuple(_d.values())))

</pallas_src>

<mosaic_0001>
#map = affine_map<(d0, d1) -> (0, 0)>
#map1 = affine_map<(d0, d1) -> (0)>
#map2 = affine_map<(d0, d1) -> (0, 0, 0)>
module attributes {stable_mosaic.version = 14 : i64} {
  func.func @_scatter_kernel(%arg0: i32, %arg1: i32, %arg2: memref<10000x128xf32, #tpu.memory_space<hbm>>, %arg3: memref<320000xi32, #tpu.memory_space<hbm>>, %arg4: memref<320000xi32, #tpu.memory_space<hbm>>, %arg5: memref<2x10240x128xf32, #tpu.memory_space<hbm>>, %arg6: memref<10240x128xf32, #tpu.memory_space<vmem_shared>>, %arg7: memref<80xi32, #tpu.memory_space<vmem>>, %arg8: memref<80xi32, #tpu.memory_space<vmem>>, %arg9: memref<80x128xf32, #tpu.memory_space<vmem>>, %arg10: memref<128x128xf32, #tpu.memory_space<vmem>>, %arg11: memref<!tpu.dma_semaphore, #tpu.memory_space<semaphore_mem>>) attributes {dimension_semantics = [#tpu.dimension_semantics<core_parallel>, #tpu.dimension_semantics<subcore_parallel>], iteration_bounds = array<i64: 2, 16>, scalar_prefetch = 0 : i64, scratch_operands = 6 : i64, tpu.core_type = #tpu.core_type<sc_vector_subcore>, window_params = [{transform_indices = #map}, {transform_indices = #map1}, {transform_indices = #map1}, {transform_indices = #map2}]} {
    %mul3A = arith.constant 2 : i32
    %mul3A_0 = arith.muli %arg1, %mul3A : i32
    %add3A = arith.addi %mul3A_0, %arg0 : i32
    %scan3A = arith.constant 0 : i32
    %scan3A_1 = arith.constant 128 : i32
    %scan3A_2 = arith.addi %scan3A, %scan3A_1 : i32
    %scan3A_3 = arith.constant 1 : i32
    scf.for %scan3A_51 = %scan3A to %scan3A_2 step %scan3A_3  : i32 {
      %mul3A_52 = arith.constant 1 : i32
      %mul3A_53 = arith.muli %scan3A_51, %mul3A_52 : i32
      %add3A_54 = arith.constant 0 : i32
      %add3A_55 = arith.addi %add3A_54, %mul3A_53 : i32
      %broadcast_in_dim3A = arith.constant 0.000000e+00 : f32
      %broadcast_in_dim3A_56 = vector.broadcast %broadcast_in_dim3A : f32 to vector<16xf32>
      %swap3A = arith.index_cast %add3A_55 : i32 to index
      %swap3A_57 = arith.constant 0 : index
      %swap3A_58 = tpu.vector_load %arg10[%swap3A, %swap3A_57] {strides = array<i32>} : memref<128x128xf32, #tpu.memory_space<vmem>>, vector<1x16xf32>,
      %swap3A_59 = vector.shape_cast %swap3A_58 : vector<1x16xf32> to vector<16xf32>
      %swap3A_60 = vector.shape_cast %broadcast_in_dim3A_56 : vector<16xf32> to vector<1x16xf32>
      tpu.vector_store %arg10[%swap3A, %swap3A_57], %swap3A_60 {strides = array<i32>} : memref<128x128xf32, #tpu.memory_space<vmem>>, vector<1x16xf32>,
      %broadcast_in_dim3A_61 = arith.constant 0.000000e+00 : f32
      %broadcast_in_dim3A_62 = vector.broadcast %broadcast_in_dim3A_61 : f32 to vector<16xf32>
      %swap3A_63 = arith.index_cast %add3A_55 : i32 to index
      %swap3A_64 = arith.constant 16 : index
      %swap3A_65 = tpu.vector_load %arg10[%swap3A_63, %swap3A_64] {strides = array<i32>} : memref<128x128xf32, #tpu.memory_space<vmem>>, vector<1x16xf32>,
      %swap3A_66 = vector.shape_cast %swap3A_65 : vector<1x16xf32> to vector<16xf32>
      %swap3A_67 = vector.shape_cast %broadcast_in_dim3A_62 : vector<16xf32> to vector<1x16xf32>
      tpu.vector_store %arg10[%swap3A_63, %swap3A_64], %swap3A_67 {strides = array<i32>} : memref<128x128xf32, #tpu.memory_space<vmem>>, vector<1x16xf32>,
      %broadcast_in_dim3A_68 = arith.constant 0.000000e+00 : f32
      %broadcast_in_dim3A_69 = vector.broadcast %broadcast_in_dim3A_68 : f32 to vector<16xf32>
      %swap3A_70 = arith.index_cast %add3A_55 : i32 to index
      %swap3A_71 = arith.constant 32 : index
      %swap3A_72 = tpu.vector_load %arg10[%swap3A_70, %swap3A_71] {strides = array<i32>} : memref<128x128xf32, #tpu.memory_space<vmem>>, vector<1x16xf32>,
      %swap3A_73 = vector.shape_cast %swap3A_72 : vector<1x16xf32> to vector<16xf32>
      %swap3A_74 = vector.shape_cast %broadcast_in_dim3A_69 : vector<16xf32> to vector<1x16xf32>
      tpu.vector_store %arg10[%swap3A_70, %swap3A_71], %swap3A_74 {strides = array<i32>} : memref<128x128xf32, #tpu.memory_space<vmem>>, vector<1x16xf32>,
      %broadcast_in_dim3A_75 = arith.constant 0.000000e+00 : f32
      %broadcast_in_dim3A_76 = vector.broadcast %broadcast_in_dim3A_75 : f32 to vector<16xf32>
      %swap3A_77 = arith.index_cast %add3A_55 : i32 to index
      %swap3A_78 = arith.constant 48 : index
      %swap3A_79 = tpu.vector_load %arg10[%swap3A_77, %swap3A_78] {strides = array<i32>} : memref<128x128xf32, #tpu.memory_space<vmem>>, vector<1x16xf32>,
      %swap3A_80 = vector.shape_cast %swap3A_79 : vector<1x16xf32> to vector<16xf32>
      %swap3A_81 = vector.shape_cast %broadcast_in_dim3A_76 : vector<16xf32> to vector<1x16xf32>
      tpu.vector_store %arg10[%swap3A_77, %swap3A_78], %swap3A_81 {strides = array<i32>} : memref<128x128xf32, #tpu.memory_space<vmem>>, vector<1x16xf32>,
      %broadcast_in_dim3A_82 = arith.constant 0.000000e+00 : f32
      %broadcast_in_dim3A_83 = vector.broadcast %broadcast_in_dim3A_82 : f32 to vector<16xf32>
      %swap3A_84 = arith.index_cast %add3A_55 : i32 to index
      %swap3A_85 = arith.constant 64 : index
      %swap3A_86 = tpu.vector_load %arg10[%swap3A_84, %swap3A_85] {strides = array<i32>} : memref<128x128xf32, #tpu.memory_space<vmem>>, vector<1x16xf32>,
      %swap3A_87 = vector.shape_cast %swap3A_86 : vector<1x16xf32> to vector<16xf32>
      %swap3A_88 = vector.shape_cast %broadcast_in_dim3A_83 : vector<16xf32> to vector<1x16xf32>
      tpu.vector_store %arg10[%swap3A_84, %swap3A_85], %swap3A_88 {strides = array<i32>} : memref<128x128xf32, #tpu.memory_space<vmem>>, vector<1x16xf32>,
      %broadcast_in_dim3A_89 = arith.constant 0.000000e+00 : f32
      %broadcast_in_dim3A_90 = vector.broadcast %broadcast_in_dim3A_89 : f32 to vector<16xf32>
      %swap3A_91 = arith.index_cast %add3A_55 : i32 to index
      %swap3A_92 = arith.constant 80 : index
      %swap3A_93 = tpu.vector_load %arg10[%swap3A_91, %swap3A_92] {strides = array<i32>} : memref<128x128xf32, #tpu.memory_space<vmem>>, vector<1x16xf32>,
      %swap3A_94 = vector.shape_cast %swap3A_93 : vector<1x16xf32> to vector<16xf32>
      %swap3A_95 = vector.shape_cast %broadcast_in_dim3A_90 : vector<16xf32> to vector<1x16xf32>
      tpu.vector_store %arg10[%swap3A_91, %swap3A_92], %swap3A_95 {strides = array<i32>} : memref<128x128xf32, #tpu.memory_space<vmem>>, vector<1x16xf32>,
      %broadcast_in_dim3A_96 = arith.constant 0.000000e+00 : f32
      %broadcast_in_dim3A_97 = vector.broadcast %broadcast_in_dim3A_96 : f32 to vector<16xf32>
      %swap3A_98 = arith.index_cast %add3A_55 : i32 to index
      %swap3A_99 = arith.constant 96 : index
      %swap3A_100 = tpu.vector_load %arg10[%swap3A_98, %swap3A_99] {strides = array<i32>} : memref<128x128xf32, #tpu.memory_space<vmem>>, vector<1x16xf32>,
      %swap3A_101 = vector.shape_cast %swap3A_100 : vector<1x16xf32> to vector<16xf32>
      %swap3A_102 = vector.shape_cast %broadcast_in_dim3A_97 : vector<16xf32> to vector<1x16xf32>
      tpu.vector_store %arg10[%swap3A_98, %swap3A_99], %swap3A_102 {strides = array<i32>} : memref<128x128xf32, #tpu.memory_space<vmem>>, vector<1x16xf32>,
      %broadcast_in_dim3A_103 = arith.constant 0.000000e+00 : f32
      %broadcast_in_dim3A_104 = vector.broadcast %broadcast_in_dim3A_103 : f32 to vector<16xf32>
      %swap3A_105 = arith.index_cast %add3A_55 : i32 to index
      %swap3A_106 = arith.constant 112 : index
      %swap3A_107 = tpu.vector_load %arg10[%swap3A_105, %swap3A_106] {strides = array<i32>} : memref<128x128xf32, #tpu.memory_space<vmem>>, vector<1x16xf32>,
      %swap3A_108 = vector.shape_cast %swap3A_107 : vector<1x16xf32> to vector<16xf32>
      %swap3A_109 = vector.shape_cast %broadcast_in_dim3A_104 : vector<16xf32> to vector<1x16xf32>
      tpu.vector_store %arg10[%swap3A_105, %swap3A_106], %swap3A_109 {strides = array<i32>} : memref<128x128xf32, #tpu.memory_space<vmem>>, vector<1x16xf32>,
    }
    %scan3A_4 = arith.constant 128 : i32
    %mul3A_5 = arith.constant 640 : i32
    %mul3A_6 = arith.muli %arg1, %mul3A_5 : i32
    %add3A_7 = arith.constant 0 : i32
    %add3A_8 = arith.addi %mul3A_6, %add3A_7 : i32
    "tpu.region"() ({
      %run_scoped3A = tpu.sem_alloc : memref<!tpu.dma_semaphore, #tpu.memory_space<semaphore_mem>>
      %dma_start3A = arith.constant 0 : i32
      %dma_start3A_51 = tpu.memref_slice %arg6[%add3A_8, %dma_start3A] : memref<10240x128xf32, #tpu.memory_space<vmem_shared>> -> memref<128x128xf32, #tpu.memory_space<vmem_shared>>
      %dma_start3A_52 = arith.constant 0 : i32
      %dma_start3A_53 = tpu.memref_slice %arg6[%add3A_8, %dma_start3A_52] : memref<10240x128xf32, #tpu.memory_space<vmem_shared>> -> memref<128x128xf32, #tpu.memory_space<vmem_shared>>
      tpu.enqueue_dma source(%arg10 : memref<128x128xf32, #tpu.memory_space<vmem>>) target(%dma_start3A_53 : memref<128x128xf32, #tpu.memory_space<vmem_shared>>) target_semaphore(%run_scoped3A : memref<!tpu.dma_semaphore, #tpu.memory_space<semaphore_mem>>)
      %dma_wait3A = arith.constant 0 : i32
      %dma_wait3A_54 = tpu.memref_slice %arg6[%add3A_8, %dma_wait3A] : memref<10240x128xf32, #tpu.memory_space<vmem_shared>> -> memref<128x128xf32, #tpu.memory_space<vmem_shared>>
      %dma_wait3A_55 = arith.constant 0 : i32
      %dma_wait3A_56 = tpu.memref_slice %arg6[%add3A_8, %dma_wait3A_55] : memref<10240x128xf32, #tpu.memory_space<vmem_shared>> -> memref<128x128xf32, #tpu.memory_space<vmem_shared>>
      tpu.wait_dma2 semaphore(%run_scoped3A : memref<!tpu.dma_semaphore, #tpu.memory_space<semaphore_mem>>) src(%arg10 : memref<128x128xf32, #tpu.memory_space<vmem>>) dst(%dma_wait3A_56 : memref<128x128xf32, #tpu.memory_space<vmem_shared>>)
      tpu.yield
    }) : () -> ()
    %mul3A_9 = arith.constant 640 : i32
    %mul3A_10 = arith.muli %arg1, %mul3A_9 : i32
    %add3A_11 = arith.constant 128 : i32
    %add3A_12 = arith.addi %mul3A_10, %add3A_11 : i32
    "tpu.region"() ({
      %run_scoped3A = tpu.sem_alloc : memref<!tpu.dma_semaphore, #tpu.memory_space<semaphore_mem>>
      %dma_start3A = arith.constant 0 : i32
      %dma_start3A_51 = tpu.memref_slice %arg6[%add3A_12, %dma_start3A] : memref<10240x128xf32, #tpu.memory_space<vmem_shared>> -> memref<128x128xf32, #tpu.memory_space<vmem_shared>>
      %dma_start3A_52 = arith.constant 0 : i32
      %dma_start3A_53 = tpu.memref_slice %arg6[%add3A_12, %dma_start3A_52] : memref<10240x128xf32, #tpu.memory_space<vmem_shared>> -> memref<128x128xf32, #tpu.memory_space<vmem_shared>>
      tpu.enqueue_dma source(%arg10 : memref<128x128xf32, #tpu.memory_space<vmem>>) target(%dma_start3A_53 : memref<128x128xf32, #tpu.memory_space<vmem_shared>>) target_semaphore(%run_scoped3A : memref<!tpu.dma_semaphore, #tpu.memory_space<semaphore_mem>>)
      %dma_wait3A = arith.constant 0 : i32
      %dma_wait3A_54 = tpu.memref_slice %arg6[%add3A_12, %dma_wait3A] : memref<10240x128xf32, #tpu.memory_space<vmem_shared>> -> memref<128x128xf32, #tpu.memory_space<vmem_shared>>
      %dma_wait3A_55 = arith.constant 0 : i32
      %dma_wait3A_56 = tpu.memref_slice %arg6[%add3A_12, %dma_wait3A_55] : memref<10240x128xf32, #tpu.memory_space<vmem_shared>> -> memref<128x128xf32, #tpu.memory_space<vmem_shared>>
      tpu.wait_dma2 semaphore(%run_scoped3A : memref<!tpu.dma_semaphore, #tpu.memory_space<semaphore_mem>>) src(%arg10 : memref<128x128xf32, #tpu.memory_space<vmem>>) dst(%dma_wait3A_56 : memref<128x128xf32, #tpu.memory_space<vmem_shared>>)
      tpu.yield
    }) : () -> ()
    %mul3A_13 = arith.constant 640 : i32
    %mul3A_14 = arith.muli %arg1, %mul3A_13 : i32
    %add3A_15 = arith.constant 256 : i32
    %add3A_16 = arith.addi %mul3A_14, %add3A_15 : i32
    "tpu.region"() ({
      %run_scoped3A = tpu.sem_alloc : memref<!tpu.dma_semaphore, #tpu.memory_space<semaphore_mem>>
      %dma_start3A = arith.constant 0 : i32
      %dma_start3A_51 = tpu.memref_slice %arg6[%add3A_16, %dma_start3A] : memref<10240x128xf32, #tpu.memory_space<vmem_shared>> -> memref<128x128xf32, #tpu.memory_space<vmem_shared>>
      %dma_start3A_52 = arith.constant 0 : i32
      %dma_start3A_53 = tpu.memref_slice %arg6[%add3A_16, %dma_start3A_52] : memref<10240x128xf32, #tpu.memory_space<vmem_shared>> -> memref<128x128xf32, #tpu.memory_space<vmem_shared>>
      tpu.enqueue_dma source(%arg10 : memref<128x128xf32, #tpu.memory_space<vmem>>) target(%dma_start3A_53 : memref<128x128xf32, #tpu.memory_space<vmem_shared>>) target_semaphore(%run_scoped3A : memref<!tpu.dma_semaphore, #tpu.memory_space<semaphore_mem>>)
      %dma_wait3A = arith.constant 0 : i32
      %dma_wait3A_54 = tpu.memref_slice %arg6[%add3A_16, %dma_wait3A] : memref<10240x128xf32, #tpu.memory_space<vmem_shared>> -> memref<128x128xf32, #tpu.memory_space<vmem_shared>>
      %dma_wait3A_55 = arith.constant 0 : i32
      %dma_wait3A_56 = tpu.memref_slice %arg6[%add3A_16, %dma_wait3A_55] : memref<10240x128xf32, #tpu.memory_space<vmem_shared>> -> memref<128x128xf32, #tpu.memory_space<vmem_shared>>
      tpu.wait_dma2 semaphore(%run_scoped3A : memref<!tpu.dma_semaphore, #tpu.memory_space<semaphore_mem>>) src(%arg10 : memref<128x128xf32, #tpu.memory_space<vmem>>) dst(%dma_wait3A_56 : memref<128x128xf32, #tpu.memory_space<vmem_shared>>)
      tpu.yield
    }) : () -> ()
    %mul3A_17 = arith.constant 640 : i32
    %mul3A_18 = arith.muli %arg1, %mul3A_17 : i32
    %add3A_19 = arith.constant 384 : i32
    %add3A_20 = arith.addi %mul3A_18, %add3A_19 : i32
    "tpu.region"() ({
      %run_scoped3A = tpu.sem_alloc : memref<!tpu.dma_semaphore, #tpu.memory_space<semaphore_mem>>
      %dma_start3A = arith.constant 0 : i32
      %dma_start3A_51 = tpu.memref_slice %arg6[%add3A_20, %dma_start3A] : memref<10240x128xf32, #tpu.memory_space<vmem_shared>> -> memref<128x128xf32, #tpu.memory_space<vmem_shared>>
      %dma_start3A_52 = arith.constant 0 : i32
      %dma_start3A_53 = tpu.memref_slice %arg6[%add3A_20, %dma_start3A_52] : memref<10240x128xf32, #tpu.memory_space<vmem_shared>> -> memref<128x128xf32, #tpu.memory_space<vmem_shared>>
      tpu.enqueue_dma source(%arg10 : memref<128x128xf32, #tpu.memory_space<vmem>>) target(%dma_start3A_53 : memref<128x128xf32, #tpu.memory_space<vmem_shared>>) target_semaphore(%run_scoped3A : memref<!tpu.dma_semaphore, #tpu.memory_space<semaphore_mem>>)
      %dma_wait3A = arith.constant 0 : i32
      %dma_wait3A_54 = tpu.memref_slice %arg6[%add3A_20, %dma_wait3A] : memref<10240x128xf32, #tpu.memory_space<vmem_shared>> -> memref<128x128xf32, #tpu.memory_space<vmem_shared>>
      %dma_wait3A_55 = arith.constant 0 : i32
      %dma_wait3A_56 = tpu.memref_slice %arg6[%add3A_20, %dma_wait3A_55] : memref<10240x128xf32, #tpu.memory_space<vmem_shared>> -> memref<128x128xf32, #tpu.memory_space<vmem_shared>>
      tpu.wait_dma2 semaphore(%run_scoped3A : memref<!tpu.dma_semaphore, #tpu.memory_space<semaphore_mem>>) src(%arg10 : memref<128x128xf32, #tpu.memory_space<vmem>>) dst(%dma_wait3A_56 : memref<128x128xf32, #tpu.memory_space<vmem_shared>>)
      tpu.yield
    }) : () -> ()
    %mul3A_21 = arith.constant 640 : i32
    %mul3A_22 = arith.muli %arg1, %mul3A_21 : i32
    %add3A_23 = arith.constant 512 : i32
    %add3A_24 = arith.addi %mul3A_22, %add3A_23 : i32
    "tpu.region"() ({
      %run_scoped3A = tpu.sem_alloc : memref<!tpu.dma_semaphore, #tpu.memory_space<semaphore_mem>>
      %dma_start3A = arith.constant 0 : i32
      %dma_start3A_51 = tpu.memref_slice %arg6[%add3A_24, %dma_start3A] : memref<10240x128xf32, #tpu.memory_space<vmem_shared>> -> memref<128x128xf32, #tpu.memory_space<vmem_shared>>
      %dma_start3A_52 = arith.constant 0 : i32
      %dma_start3A_53 = tpu.memref_slice %arg6[%add3A_24, %dma_start3A_52] : memref<10240x128xf32, #tpu.memory_space<vmem_shared>> -> memref<128x128xf32, #tpu.memory_space<vmem_shared>>
      tpu.enqueue_dma source(%arg10 : memref<128x128xf32, #tpu.memory_space<vmem>>) target(%dma_start3A_53 : memref<128x128xf32, #tpu.memory_space<vmem_shared>>) target_semaphore(%run_scoped3A : memref<!tpu.dma_semaphore, #tpu.memory_space<semaphore_mem>>)
      %dma_wait3A = arith.constant 0 : i32
      %dma_wait3A_54 = tpu.memref_slice %arg6[%add3A_24, %dma_wait3A] : memref<10240x128xf32, #tpu.memory_space<vmem_shared>> -> memref<128x128xf32, #tpu.memory_space<vmem_shared>>
      %dma_wait3A_55 = arith.constant 0 : i32
      %dma_wait3A_56 = tpu.memref_slice %arg6[%add3A_24, %dma_wait3A_55] : memref<10240x128xf32, #tpu.memory_space<vmem_shared>> -> memref<128x128xf32, #tpu.memory_space<vmem_shared>>
      tpu.wait_dma2 semaphore(%run_scoped3A : memref<!tpu.dma_semaphore, #tpu.memory_space<semaphore_mem>>) src(%arg10 : memref<128x128xf32, #tpu.memory_space<vmem>>) dst(%dma_wait3A_56 : memref<128x128xf32, #tpu.memory_space<vmem_shared>>)
      tpu.yield
    }) : () -> ()
    %barrier3A = arith.constant 0 : index
    tpu.barrier barrier_id(%barrier3A)
    %scan3A_25 = arith.constant 0 : i32
    %scan3A_26 = arith.constant 125 : i32
    %scan3A_27 = arith.addi %scan3A_25, %scan3A_26 : i32
    %scan3A_28 = arith.constant 1 : i32
    scf.for %scan3A_51 = %scan3A_25 to %scan3A_27 step %scan3A_28  : i32 {
      %mul3A_52 = arith.constant 1 : i32
      %mul3A_53 = arith.muli %scan3A_51, %mul3A_52 : i32
      %add3A_54 = arith.constant 0 : i32
      %add3A_55 = arith.addi %add3A_54, %mul3A_53 : i32
      %mul3A_56 = arith.constant 10000 : i32
      %mul3A_57 = arith.muli %add3A, %mul3A_56 : i32
      %mul3A_58 = arith.constant 80 : i32
      %mul3A_59 = arith.muli %add3A_55, %mul3A_58 : i32
      %add3A_60 = arith.addi %mul3A_57, %mul3A_59 : i32
      "tpu.region"() ({
        %run_scoped3A = tpu.sem_alloc : memref<!tpu.dma_semaphore, #tpu.memory_space<semaphore_mem>>
        %dma_start3A_65 = tpu.memref_slice %arg3[%add3A_60] : memref<320000xi32, #tpu.memory_space<hbm>> -> memref<80xi32, #tpu.memory_space<hbm>>
        %dma_start3A_66 = tpu.memref_slice %arg3[%add3A_60] : memref<320000xi32, #tpu.memory_space<hbm>> -> memref<80xi32, #tpu.memory_space<hbm>>
        tpu.enqueue_dma source(%dma_start3A_66 : memref<80xi32, #tpu.memory_space<hbm>>) target(%arg7 : memref<80xi32, #tpu.memory_space<vmem>>) target_semaphore(%run_scoped3A : memref<!tpu.dma_semaphore, #tpu.memory_space<semaphore_mem>>)
        %dma_wait3A_67 = tpu.memref_slice %arg3[%add3A_60] : memref<320000xi32, #tpu.memory_space<hbm>> -> memref<80xi32, #tpu.memory_space<hbm>>
        %dma_wait3A_68 = tpu.memref_slice %arg3[%add3A_60] : memref<320000xi32, #tpu.memory_space<hbm>> -> memref<80xi32, #tpu.memory_space<hbm>>
        tpu.wait_dma2 semaphore(%run_scoped3A : memref<!tpu.dma_semaphore, #tpu.memory_space<semaphore_mem>>) src(%dma_wait3A_68 : memref<80xi32, #tpu.memory_space<hbm>>) dst(%arg7 : memref<80xi32, #tpu.memory_space<vmem>>)
        tpu.yield
      }) : () -> ()
      "tpu.region"() ({
        %run_scoped3A = tpu.sem_alloc : memref<!tpu.dma_semaphore, #tpu.memory_space<semaphore_mem>>
        %dma_start3A_65 = tpu.memref_slice %arg4[%add3A_60] : memref<320000xi32, #tpu.memory_space<hbm>> -> memref<80xi32, #tpu.memory_space<hbm>>
        %dma_start3A_66 = tpu.memref_slice %arg4[%add3A_60] : memref<320000xi32, #tpu.memory_space<hbm>> -> memref<80xi32, #tpu.memory_space<hbm>>
        tpu.enqueue_dma source(%dma_start3A_66 : memref<80xi32, #tpu.memory_space<hbm>>) target(%arg8 : memref<80xi32, #tpu.memory_space<vmem>>) target_semaphore(%run_scoped3A : memref<!tpu.dma_semaphore, #tpu.memory_space<semaphore_mem>>)
        %dma_wait3A_67 = tpu.memref_slice %arg4[%add3A_60] : memref<320000xi32, #tpu.memory_space<hbm>> -> memref<80xi32, #tpu.memory_space<hbm>>
        %dma_wait3A_68 = tpu.memref_slice %arg4[%add3A_60] : memref<320000xi32, #tpu.memory_space<hbm>> -> memref<80xi32, #tpu.memory_space<hbm>>
        tpu.wait_dma2 semaphore(%run_scoped3A : memref<!tpu.dma_semaphore, #tpu.memory_space<semaphore_mem>>) src(%dma_wait3A_68 : memref<80xi32, #tpu.memory_space<hbm>>) dst(%arg8 : memref<80xi32, #tpu.memory_space<vmem>>)
        tpu.yield
      }) : () -> ()
      %dma_start3A = arith.constant 0 : i32
      %dma_start3A_61 = arith.constant 0 : i32
      %dma_start3A_62 = tpu.memref_slice %arg2[%dma_start3A, %dma_start3A_61] : memref<10000x128xf32, #tpu.memory_space<hbm>> -> memref<10000x128xf32, #tpu.memory_space<hbm>>
      tpu.enqueue_indirect_dma source(%dma_start3A_62 : memref<10000x128xf32, #tpu.memory_space<hbm>>) target(%arg9 : memref<80x128xf32, #tpu.memory_space<vmem>>) offsets(%arg7 : memref<80xi32, #tpu.memory_space<vmem>>) semaphore(%arg11 : memref<!tpu.dma_semaphore, #tpu.memory_space<semaphore_mem>>)
      %dma_wait3A = arith.constant 0 : i32
      %dma_wait3A_63 = arith.constant 0 : i32
      %dma_wait3A_64 = tpu.memref_slice %arg2[%dma_wait3A, %dma_wait3A_63] : memref<10000x128xf32, #tpu.memory_space<hbm>> -> memref<10000x128xf32, #tpu.memory_space<hbm>>
      tpu.wait_indirect_dma semaphore(%arg11 : memref<!tpu.dma_semaphore, #tpu.memory_space<semaphore_mem>>) src(%dma_wait3A_64 : memref<10000x128xf32, #tpu.memory_space<hbm>>) dst(%arg9 : memref<80x128xf32, #tpu.memory_space<vmem>>)
      "tpu.region"() ({
        %run_scoped3A = tpu.sem_alloc : memref<!tpu.dma_semaphore, #tpu.memory_space<semaphore_mem>>
        %dma_start3A_65 = arith.constant 0 : i32
        %dma_start3A_66 = arith.constant 0 : i32
        %dma_start3A_67 = tpu.memref_slice %arg6[%dma_start3A_65, %dma_start3A_66] : memref<10240x128xf32, #tpu.memory_space<vmem_shared>> -> memref<10240x128xf32, #tpu.memory_space<vmem_shared>>
        tpu.enqueue_indirect_dma source(%arg9 : memref<80x128xf32, #tpu.memory_space<vmem>>) target(%dma_start3A_67 : memref<10240x128xf32, #tpu.memory_space<vmem_shared>>) offsets(%arg8 : memref<80xi32, #tpu.memory_space<vmem>>) semaphore(%run_scoped3A : memref<!tpu.dma_semaphore, #tpu.memory_space<semaphore_mem>>) {add = true}
        %dma_wait3A_68 = arith.constant 0 : i32
        %dma_wait3A_69 = arith.constant 0 : i32
        %dma_wait3A_70 = tpu.memref_slice %arg6[%dma_wait3A_68, %dma_wait3A_69] : memref<10240x128xf32, #tpu.memory_space<vmem_shared>> -> memref<10240x128xf32, #tpu.memory_space<vmem_shared>>
        tpu.wait_indirect_dma semaphore(%run_scoped3A : memref<!tpu.dma_semaphore, #tpu.memory_space<semaphore_mem>>) src(%arg9 : memref<80x128xf32, #tpu.memory_space<vmem>>) dst(%dma_wait3A_70 : memref<10240x128xf32, #tpu.memory_space<vmem_shared>>)
        tpu.yield
      }) : () -> ()
    }
    %scan3A_29 = arith.constant 125 : i32
    %barrier3A_30 = arith.constant 0 : index
    tpu.barrier barrier_id(%barrier3A_30)
    %mul3A_31 = arith.constant 640 : i32
    %mul3A_32 = arith.muli %arg1, %mul3A_31 : i32
    %add3A_33 = arith.constant 0 : i32
    %add3A_34 = arith.addi %mul3A_32, %add3A_33 : i32
    "tpu.region"() ({
      %run_scoped3A = tpu.sem_alloc : memref<!tpu.dma_semaphore, #tpu.memory_space<semaphore_mem>>
      %dma_start3A = arith.constant 0 : i32
      %dma_start3A_51 = tpu.memref_slice %arg5[%arg0, %add3A_34, %dma_start3A] : memref<2x10240x128xf32, #tpu.memory_space<hbm>> -> memref<1x128x128xf32, #tpu.memory_space<hbm>>
      %dma_start3A_52 = tpu.memref_squeeze %dma_start3A_51 : memref<1x128x128xf32, #tpu.memory_space<hbm>> -> memref<128x128xf32, #tpu.memory_space<hbm>>
      %dma_start3A_53 = arith.constant 0 : i32
      %dma_start3A_54 = tpu.memref_slice %arg6[%add3A_34, %dma_start3A_53] : memref<10240x128xf32, #tpu.memory_space<vmem_shared>> -> memref<128x128xf32, #tpu.memory_space<vmem_shared>>
      tpu.enqueue_dma source(%dma_start3A_54 : memref<128x128xf32, #tpu.memory_space<vmem_shared>>) target(%dma_start3A_52 : memref<128x128xf32, #tpu.memory_space<hbm>>) target_semaphore(%run_scoped3A : memref<!tpu.dma_semaphore, #tpu.memory_space<semaphore_mem>>)
      %dma_wait3A = arith.constant 0 : i32
      %dma_wait3A_55 = tpu.memref_slice %arg5[%arg0, %add3A_34, %dma_wait3A] : memref<2x10240x128xf32, #tpu.memory_space<hbm>> -> memref<1x128x128xf32, #tpu.memory_space<hbm>>
      %dma_wait3A_56 = tpu.memref_squeeze %dma_wait3A_55 : memref<1x128x128xf32, #tpu.memory_space<hbm>> -> memref<128x128xf32, #tpu.memory_space<hbm>>
      %dma_wait3A_57 = arith.constant 0 : i32
      %dma_wait3A_58 = tpu.memref_slice %arg6[%add3A_34, %dma_wait3A_57] : memref<10240x128xf32, #tpu.memory_space<vmem_shared>> -> memref<128x128xf32, #tpu.memory_space<vmem_shared>>
      tpu.wait_dma2 semaphore(%run_scoped3A : memref<!tpu.dma_semaphore, #tpu.memory_space<semaphore_mem>>) src(%dma_wait3A_58 : memref<128x128xf32, #tpu.memory_space<vmem_shared>>) dst(%dma_wait3A_56 : memref<128x128xf32, #tpu.memory_space<hbm>>)
      tpu.yield
    }) : () -> ()
    %mul3A_35 = arith.constant 640 : i32
    %mul3A_36 = arith.muli %arg1, %mul3A_35 : i32
    %add3A_37 = arith.constant 128 : i32
    %add3A_38 = arith.addi %mul3A_36, %add3A_37 : i32
    "tpu.region"() ({
      %run_scoped3A = tpu.sem_alloc : memref<!tpu.dma_semaphore, #tpu.memory_space<semaphore_mem>>
      %dma_start3A = arith.constant 0 : i32
      %dma_start3A_51 = tpu.memref_slice %arg5[%arg0, %add3A_38, %dma_start3A] : memref<2x10240x128xf32, #tpu.memory_space<hbm>> -> memref<1x128x128xf32, #tpu.memory_space<hbm>>
      %dma_start3A_52 = tpu.memref_squeeze %dma_start3A_51 : memref<1x128x128xf32, #tpu.memory_space<hbm>> -> memref<128x128xf32, #tpu.memory_space<hbm>>
      %dma_start3A_53 = arith.constant 0 : i32
      %dma_start3A_54 = tpu.memref_slice %arg6[%add3A_38, %dma_start3A_53] : memref<10240x128xf32, #tpu.memory_space<vmem_shared>> -> memref<128x128xf32, #tpu.memory_space<vmem_shared>>
      tpu.enqueue_dma source(%dma_start3A_54 : memref<128x128xf32, #tpu.memory_space<vmem_shared>>) target(%dma_start3A_52 : memref<128x128xf32, #tpu.memory_space<hbm>>) target_semaphore(%run_scoped3A : memref<!tpu.dma_semaphore, #tpu.memory_space<semaphore_mem>>)
      %dma_wait3A = arith.constant 0 : i32
      %dma_wait3A_55 = tpu.memref_slice %arg5[%arg0, %add3A_38, %dma_wait3A] : memref<2x10240x128xf32, #tpu.memory_space<hbm>> -> memref<1x128x128xf32, #tpu.memory_space<hbm>>
      %dma_wait3A_56 = tpu.memref_squeeze %dma_wait3A_55 : memref<1x128x128xf32, #tpu.memory_space<hbm>> -> memref<128x128xf32, #tpu.memory_space<hbm>>
      %dma_wait3A_57 = arith.constant 0 : i32
      %dma_wait3A_58 = tpu.memref_slice %arg6[%add3A_38, %dma_wait3A_57] : memref<10240x128xf32, #tpu.memory_space<vmem_shared>> -> memref<128x128xf32, #tpu.memory_space<vmem_shared>>
      tpu.wait_dma2 semaphore(%run_scoped3A : memref<!tpu.dma_semaphore, #tpu.memory_space<semaphore_mem>>) src(%dma_wait3A_58 : memref<128x128xf32, #tpu.memory_space<vmem_shared>>) dst(%dma_wait3A_56 : memref<128x128xf32, #tpu.memory_space<hbm>>)
      tpu.yield
    }) : () -> ()
    %mul3A_39 = arith.constant 640 : i32
    %mul3A_40 = arith.muli %arg1, %mul3A_39 : i32
    %add3A_41 = arith.constant 256 : i32
    %add3A_42 = arith.addi %mul3A_40, %add3A_41 : i32
    "tpu.region"() ({
      %run_scoped3A = tpu.sem_alloc : memref<!tpu.dma_semaphore, #tpu.memory_space<semaphore_mem>>
      %dma_start3A = arith.constant 0 : i32
      %dma_start3A_51 = tpu.memref_slice %arg5[%arg0, %add3A_42, %dma_start3A] : memref<2x10240x128xf32, #tpu.memory_space<hbm>> -> memref<1x128x128xf32, #tpu.memory_space<hbm>>
      %dma_start3A_52 = tpu.memref_squeeze %dma_start3A_51 : memref<1x128x128xf32, #tpu.memory_space<hbm>> -> memref<128x128xf32, #tpu.memory_space<hbm>>
      %dma_start3A_53 = arith.constant 0 : i32
      %dma_start3A_54 = tpu.memref_slice %arg6[%add3A_42, %dma_start3A_53] : memref<10240x128xf32, #tpu.memory_space<vmem_shared>> -> memref<128x128xf32, #tpu.memory_space<vmem_shared>>
      tpu.enqueue_dma source(%dma_start3A_54 : memref<128x128xf32, #tpu.memory_space<vmem_shared>>) target(%dma_start3A_52 : memref<128x128xf32, #tpu.memory_space<hbm>>) target_semaphore(%run_scoped3A : memref<!tpu.dma_semaphore, #tpu.memory_space<semaphore_mem>>)
      %dma_wait3A = arith.constant 0 : i32
      %dma_wait3A_55 = tpu.memref_slice %arg5[%arg0, %add3A_42, %dma_wait3A] : memref<2x10240x128xf32, #tpu.memory_space<hbm>> -> memref<1x128x128xf32, #tpu.memory_space<hbm>>
      %dma_wait3A_56 = tpu.memref_squeeze %dma_wait3A_55 : memref<1x128x128xf32, #tpu.memory_space<hbm>> -> memref<128x128xf32, #tpu.memory_space<hbm>>
      %dma_wait3A_57 = arith.constant 0 : i32
      %dma_wait3A_58 = tpu.memref_slice %arg6[%add3A_42, %dma_wait3A_57] : memref<10240x128xf32, #tpu.memory_space<vmem_shared>> -> memref<128x128xf32, #tpu.memory_space<vmem_shared>>
      tpu.wait_dma2 semaphore(%run_scoped3A : memref<!tpu.dma_semaphore, #tpu.memory_space<semaphore_mem>>) src(%dma_wait3A_58 : memref<128x128xf32, #tpu.memory_space<vmem_shared>>) dst(%dma_wait3A_56 : memref<128x128xf32, #tpu.memory_space<hbm>>)
      tpu.yield
    }) : () -> ()
    %mul3A_43 = arith.constant 640 : i32
    %mul3A_44 = arith.muli %arg1, %mul3A_43 : i32
    %add3A_45 = arith.constant 384 : i32
    %add3A_46 = arith.addi %mul3A_44, %add3A_45 : i32
    "tpu.region"() ({
      %run_scoped3A = tpu.sem_alloc : memref<!tpu.dma_semaphore, #tpu.memory_space<semaphore_mem>>
      %dma_start3A = arith.constant 0 : i32
      %dma_start3A_51 = tpu.memref_slice %arg5[%arg0, %add3A_46, %dma_start3A] : memref<2x10240x128xf32, #tpu.memory_space<hbm>> -> memref<1x128x128xf32, #tpu.memory_space<hbm>>
      %dma_start3A_52 = tpu.memref_squeeze %dma_start3A_51 : memref<1x128x128xf32, #tpu.memory_space<hbm>> -> memref<128x128xf32, #tpu.memory_space<hbm>>
      %dma_start3A_53 = arith.constant 0 : i32
      %dma_start3A_54 = tpu.memref_slice %arg6[%add3A_46, %dma_start3A_53] : memref<10240x128xf32, #tpu.memory_space<vmem_shared>> -> memref<128x128xf32, #tpu.memory_space<vmem_shared>>
      tpu.enqueue_dma source(%dma_start3A_54 : memref<128x128xf32, #tpu.memory_space<vmem_shared>>) target(%dma_start3A_52 : memref<128x128xf32, #tpu.memory_space<hbm>>) target_semaphore(%run_scoped3A : memref<!tpu.dma_semaphore, #tpu.memory_space<semaphore_mem>>)
      %dma_wait3A = arith.constant 0 : i32
      %dma_wait3A_55 = tpu.memref_slice %arg5[%arg0, %add3A_46, %dma_wait3A] : memref<2x10240x128xf32, #tpu.memory_space<hbm>> -> memref<1x128x128xf32, #tpu.memory_space<hbm>>
      %dma_wait3A_56 = tpu.memref_squeeze %dma_wait3A_55 : memref<1x128x128xf32, #tpu.memory_space<hbm>> -> memref<128x128xf32, #tpu.memory_space<hbm>>
      %dma_wait3A_57 = arith.constant 0 : i32
      %dma_wait3A_58 = tpu.memref_slice %arg6[%add3A_46, %dma_wait3A_57] : memref<10240x128xf32, #tpu.memory_space<vmem_shared>> -> memref<128x128xf32, #tpu.memory_space<vmem_shared>>
      tpu.wait_dma2 semaphore(%run_scoped3A : memref<!tpu.dma_semaphore, #tpu.memory_space<semaphore_mem>>) src(%dma_wait3A_58 : memref<128x128xf32, #tpu.memory_space<vmem_shared>>) dst(%dma_wait3A_56 : memref<128x128xf32, #tpu.memory_space<hbm>>)
      tpu.yield
    }) : () -> ()
    %mul3A_47 = arith.constant 640 : i32
    %mul3A_48 = arith.muli %arg1, %mul3A_47 : i32
    %add3A_49 = arith.constant 512 : i32
    %add3A_50 = arith.addi %mul3A_48, %add3A_49 : i32
    "tpu.region"() ({
      %run_scoped3A = tpu.sem_alloc : memref<!tpu.dma_semaphore, #tpu.memory_space<semaphore_mem>>
      %dma_start3A = arith.constant 0 : i32
      %dma_start3A_51 = tpu.memref_slice %arg5[%arg0, %add3A_50, %dma_start3A] : memref<2x10240x128xf32, #tpu.memory_space<hbm>> -> memref<1x128x128xf32, #tpu.memory_space<hbm>>
      %dma_start3A_52 = tpu.memref_squeeze %dma_start3A_51 : memref<1x128x128xf32, #tpu.memory_space<hbm>> -> memref<128x128xf32, #tpu.memory_space<hbm>>
      %dma_start3A_53 = arith.constant 0 : i32
      %dma_start3A_54 = tpu.memref_slice %arg6[%add3A_50, %dma_start3A_53] : memref<10240x128xf32, #tpu.memory_space<vmem_shared>> -> memref<128x128xf32, #tpu.memory_space<vmem_shared>>
      tpu.enqueue_dma source(%dma_start3A_54 : memref<128x128xf32, #tpu.memory_space<vmem_shared>>) target(%dma_start3A_52 : memref<128x128xf32, #tpu.memory_space<hbm>>) target_semaphore(%run_scoped3A : memref<!tpu.dma_semaphore, #tpu.memory_space<semaphore_mem>>)
      %dma_wait3A = arith.constant 0 : i32
      %dma_wait3A_55 = tpu.memref_slice %arg5[%arg0, %add3A_50, %dma_wait3A] : memref<2x10240x128xf32, #tpu.memory_space<hbm>> -> memref<1x128x128xf32, #tpu.memory_space<hbm>>
      %dma_wait3A_56 = tpu.memref_squeeze %dma_wait3A_55 : memref<1x128x128xf32, #tpu.memory_space<hbm>> -> memref<128x128xf32, #tpu.memory_space<hbm>>
      %dma_wait3A_57 = arith.constant 0 : i32
      %dma_wait3A_58 = tpu.memref_slice %arg6[%add3A_50, %dma_wait3A_57] : memref<10240x128xf32, #tpu.memory_space<vmem_shared>> -> memref<128x128xf32, #tpu.memory_space<vmem_shared>>
      tpu.wait_dma2 semaphore(%run_scoped3A : memref<!tpu.dma_semaphore, #tpu.memory_space<semaphore_mem>>) src(%dma_wait3A_58 : memref<128x128xf32, #tpu.memory_space<vmem_shared>>) dst(%dma_wait3A_56 : memref<128x128xf32, #tpu.memory_space<hbm>>)
      tpu.yield
    }) : () -> ()
    return
  }
}

#map = affine_map<(d0, d1) -> (0)>
#map1 = affine_map<(d0, d1) -> (0, 0, 0)>
module attributes {stable_mosaic.version = 14 : i64} {
  func.func @_deg_kernel(%arg0: i32, %arg1: i32, %arg2: memref<320000xi32, #tpu.memory_space<hbm>>, %arg3: memref<2x10240x16xf32, #tpu.memory_space<hbm>>, %arg4: memref<10240x16xf32, #tpu.memory_space<vmem_shared>>, %arg5: memref<80xi32, #tpu.memory_space<vmem>>, %arg6: memref<80x16xf32, #tpu.memory_space<vmem>>, %arg7: memref<128x16xf32, #tpu.memory_space<vmem>>) attributes {dimension_semantics = [#tpu.dimension_semantics<core_parallel>, #tpu.dimension_semantics<subcore_parallel>], iteration_bounds = array<i64: 2, 16>, scalar_prefetch = 0 : i64, scratch_operands = 4 : i64, tpu.core_type = #tpu.core_type<sc_vector_subcore>, window_params = [{transform_indices = #map}, {transform_indices = #map1}]} {
    %mul3A = arith.constant 2 : i32
    %mul3A_0 = arith.muli %arg1, %mul3A : i32
    %add3A = arith.addi %mul3A_0, %arg0 : i32
    %scan3A = arith.constant 0 : i32
    %scan3A_1 = arith.constant 128 : i32
    %scan3A_2 = arith.addi %scan3A, %scan3A_1 : i32
    %scan3A_3 = arith.constant 1 : i32
    scf.for %scan3A_56 = %scan3A to %scan3A_2 step %scan3A_3  : i32 {
      %mul3A_57 = arith.constant 1 : i32
      %mul3A_58 = arith.muli %scan3A_56, %mul3A_57 : i32
      %add3A_59 = arith.constant 0 : i32
      %add3A_60 = arith.addi %add3A_59, %mul3A_58 : i32
      %broadcast_in_dim3A = arith.constant 0.000000e+00 : f32
      %broadcast_in_dim3A_61 = vector.broadcast %broadcast_in_dim3A : f32 to vector<16xf32>
      %swap3A = arith.index_cast %add3A_60 : i32 to index
      %swap3A_62 = arith.constant 0 : index
      %swap3A_63 = tpu.vector_load %arg7[%swap3A, %swap3A_62] {strides = array<i32>} : memref<128x16xf32, #tpu.memory_space<vmem>>, vector<1x16xf32>,
      %swap3A_64 = vector.shape_cast %swap3A_63 : vector<1x16xf32> to vector<16xf32>
      %swap3A_65 = vector.shape_cast %broadcast_in_dim3A_61 : vector<16xf32> to vector<1x16xf32>
      tpu.vector_store %arg7[%swap3A, %swap3A_62], %swap3A_65 {strides = array<i32>} : memref<128x16xf32, #tpu.memory_space<vmem>>, vector<1x16xf32>,
    }
    %scan3A_4 = arith.constant 128 : i32
    %scan3A_5 = arith.constant 0 : i32
    %scan3A_6 = arith.constant 80 : i32
    %scan3A_7 = arith.addi %scan3A_5, %scan3A_6 : i32
    %scan3A_8 = arith.constant 1 : i32
    scf.for %scan3A_56 = %scan3A_5 to %scan3A_7 step %scan3A_8  : i32 {
      %mul3A_57 = arith.constant 1 : i32
      %mul3A_58 = arith.muli %scan3A_56, %mul3A_57 : i32
      %add3A_59 = arith.constant 0 : i32
      %add3A_60 = arith.addi %add3A_59, %mul3A_58 : i32
      %broadcast_in_dim3A = arith.constant 1.000000e+00 : f32
      %broadcast_in_dim3A_61 = vector.broadcast %broadcast_in_dim3A : f32 to vector<16xf32>
      %swap3A = arith.index_cast %add3A_60 : i32 to index
      %swap3A_62 = arith.constant 0 : index
      %swap3A_63 = tpu.vector_load %arg6[%swap3A, %swap3A_62] {strides = array<i32>} : memref<80x16xf32, #tpu.memory_space<vmem>>, vector<1x16xf32>,
      %swap3A_64 = vector.shape_cast %swap3A_63 : vector<1x16xf32> to vector<16xf32>
      %swap3A_65 = vector.shape_cast %broadcast_in_dim3A_61 : vector<16xf32> to vector<1x16xf32>
      tpu.vector_store %arg6[%swap3A, %swap3A_62], %swap3A_65 {strides = array<i32>} : memref<80x16xf32, #tpu.memory_space<vmem>>, vector<1x16xf32>,
    }
    %scan3A_9 = arith.constant 80 : i32
    %mul3A_10 = arith.constant 640 : i32
    %mul3A_11 = arith.muli %arg1, %mul3A_10 : i32
    %add3A_12 = arith.constant 0 : i32
    %add3A_13 = arith.addi %mul3A_11, %add3A_12 : i32
    "tpu.region"() ({
      %run_scoped3A = tpu.sem_alloc : memref<!tpu.dma_semaphore, #tpu.memory_space<semaphore_mem>>
      %dma_start3A = arith.constant 0 : i32
      %dma_start3A_56 = tpu.memref_slice %arg4[%add3A_13, %dma_start3A] : memref<10240x16xf32, #tpu.memory_space<vmem_shared>> -> memref<128x16xf32, #tpu.memory_space<vmem_shared>>
      %dma_start3A_57 = arith.constant 0 : i32
      %dma_start3A_58 = tpu.memref_slice %arg4[%add3A_13, %dma_start3A_57] : memref<10240x16xf32, #tpu.memory_space<vmem_shared>> -> memref<128x16xf32, #tpu.memory_space<vmem_shared>>
      tpu.enqueue_dma source(%arg7 : memref<128x16xf32, #tpu.memory_space<vmem>>) target(%dma_start3A_58 : memref<128x16xf32, #tpu.memory_space<vmem_shared>>) target_semaphore(%run_scoped3A : memref<!tpu.dma_semaphore, #tpu.memory_space<semaphore_mem>>)
      %dma_wait3A = arith.constant 0 : i32
      %dma_wait3A_59 = tpu.memref_slice %arg4[%add3A_13, %dma_wait3A] : memref<10240x16xf32, #tpu.memory_space<vmem_shared>> -> memref<128x16xf32, #tpu.memory_space<vmem_shared>>
      %dma_wait3A_60 = arith.constant 0 : i32
      %dma_wait3A_61 = tpu.memref_slice %arg4[%add3A_13, %dma_wait3A_60] : memref<10240x16xf32, #tpu.memory_space<vmem_shared>> -> memref<128x16xf32, #tpu.memory_space<vmem_shared>>
      tpu.wait_dma2 semaphore(%run_scoped3A : memref<!tpu.dma_semaphore, #tpu.memory_space<semaphore_mem>>) src(%arg7 : memref<128x16xf32, #tpu.memory_space<vmem>>) dst(%dma_wait3A_61 : memref<128x16xf32, #tpu.memory_space<vmem_shared>>)
      tpu.yield
    }) : () -> ()
    %mul3A_14 = arith.constant 640 : i32
    %mul3A_15 = arith.muli %arg1, %mul3A_14 : i32
    %add3A_16 = arith.constant 128 : i32
    %add3A_17 = arith.addi %mul3A_15, %add3A_16 : i32
    "tpu.region"() ({
      %run_scoped3A = tpu.sem_alloc : memref<!tpu.dma_semaphore, #tpu.memory_space<semaphore_mem>>
      %dma_start3A = arith.constant 0 : i32
      %dma_start3A_56 = tpu.memref_slice %arg4[%add3A_17, %dma_start3A] : memref<10240x16xf32, #tpu.memory_space<vmem_shared>> -> memref<128x16xf32, #tpu.memory_space<vmem_shared>>
      %dma_start3A_57 = arith.constant 0 : i32
      %dma_start3A_58 = tpu.memref_slice %arg4[%add3A_17, %dma_start3A_57] : memref<10240x16xf32, #tpu.memory_space<vmem_shared>> -> memref<128x16xf32, #tpu.memory_space<vmem_shared>>
      tpu.enqueue_dma source(%arg7 : memref<128x16xf32, #tpu.memory_space<vmem>>) target(%dma_start3A_58 : memref<128x16xf32, #tpu.memory_space<vmem_shared>>) target_semaphore(%run_scoped3A : memref<!tpu.dma_semaphore, #tpu.memory_space<semaphore_mem>>)
      %dma_wait3A = arith.constant 0 : i32
      %dma_wait3A_59 = tpu.memref_slice %arg4[%add3A_17, %dma_wait3A] : memref<10240x16xf32, #tpu.memory_space<vmem_shared>> -> memref<128x16xf32, #tpu.memory_space<vmem_shared>>
      %dma_wait3A_60 = arith.constant 0 : i32
      %dma_wait3A_61 = tpu.memref_slice %arg4[%add3A_17, %dma_wait3A_60] : memref<10240x16xf32, #tpu.memory_space<vmem_shared>> -> memref<128x16xf32, #tpu.memory_space<vmem_shared>>
      tpu.wait_dma2 semaphore(%run_scoped3A : memref<!tpu.dma_semaphore, #tpu.memory_space<semaphore_mem>>) src(%arg7 : memref<128x16xf32, #tpu.memory_space<vmem>>) dst(%dma_wait3A_61 : memref<128x16xf32, #tpu.memory_space<vmem_shared>>)
      tpu.yield
    }) : () -> ()
    %mul3A_18 = arith.constant 640 : i32
    %mul3A_19 = arith.muli %arg1, %mul3A_18 : i32
    %add3A_20 = arith.constant 256 : i32
    %add3A_21 = arith.addi %mul3A_19, %add3A_20 : i32
    "tpu.region"() ({
      %run_scoped3A = tpu.sem_alloc : memref<!tpu.dma_semaphore, #tpu.memory_space<semaphore_mem>>
      %dma_start3A = arith.constant 0 : i32
      %dma_start3A_56 = tpu.memref_slice %arg4[%add3A_21, %dma_start3A] : memref<10240x16xf32, #tpu.memory_space<vmem_shared>> -> memref<128x16xf32, #tpu.memory_space<vmem_shared>>
      %dma_start3A_57 = arith.constant 0 : i32
      %dma_start3A_58 = tpu.memref_slice %arg4[%add3A_21, %dma_start3A_57] : memref<10240x16xf32, #tpu.memory_space<vmem_shared>> -> memref<128x16xf32, #tpu.memory_space<vmem_shared>>
      tpu.enqueue_dma source(%arg7 : memref<128x16xf32, #tpu.memory_space<vmem>>) target(%dma_start3A_58 : memref<128x16xf32, #tpu.memory_space<vmem_shared>>) target_semaphore(%run_scoped3A : memref<!tpu.dma_semaphore, #tpu.memory_space<semaphore_mem>>)
      %dma_wait3A = arith.constant 0 : i32
      %dma_wait3A_59 = tpu.memref_slice %arg4[%add3A_21, %dma_wait3A] : memref<10240x16xf32, #tpu.memory_space<vmem_shared>> -> memref<128x16xf32, #tpu.memory_space<vmem_shared>>
      %dma_wait3A_60 = arith.constant 0 : i32
      %dma_wait3A_61 = tpu.memref_slice %arg4[%add3A_21, %dma_wait3A_60] : memref<10240x16xf32, #tpu.memory_space<vmem_shared>> -> memref<128x16xf32, #tpu.memory_space<vmem_shared>>
      tpu.wait_dma2 semaphore(%run_scoped3A : memref<!tpu.dma_semaphore, #tpu.memory_space<semaphore_mem>>) src(%arg7 : memref<128x16xf32, #tpu.memory_space<vmem>>) dst(%dma_wait3A_61 : memref<128x16xf32, #tpu.memory_space<vmem_shared>>)
      tpu.yield
    }) : () -> ()
    %mul3A_22 = arith.constant 640 : i32
    %mul3A_23 = arith.muli %arg1, %mul3A_22 : i32
    %add3A_24 = arith.constant 384 : i32
    %add3A_25 = arith.addi %mul3A_23, %add3A_24 : i32
    "tpu.region"() ({
      %run_scoped3A = tpu.sem_alloc : memref<!tpu.dma_semaphore, #tpu.memory_space<semaphore_mem>>
      %dma_start3A = arith.constant 0 : i32
      %dma_start3A_56 = tpu.memref_slice %arg4[%add3A_25, %dma_start3A] : memref<10240x16xf32, #tpu.memory_space<vmem_shared>> -> memref<128x16xf32, #tpu.memory_space<vmem_shared>>
      %dma_start3A_57 = arith.constant 0 : i32
      %dma_start3A_58 = tpu.memref_slice %arg4[%add3A_25, %dma_start3A_57] : memref<10240x16xf32, #tpu.memory_space<vmem_shared>> -> memref<128x16xf32, #tpu.memory_space<vmem_shared>>
      tpu.enqueue_dma source(%arg7 : memref<128x16xf32, #tpu.memory_space<vmem>>) target(%dma_start3A_58 : memref<128x16xf32, #tpu.memory_space<vmem_shared>>) target_semaphore(%run_scoped3A : memref<!tpu.dma_semaphore, #tpu.memory_space<semaphore_mem>>)
      %dma_wait3A = arith.constant 0 : i32
      %dma_wait3A_59 = tpu.memref_slice %arg4[%add3A_25, %dma_wait3A] : memref<10240x16xf32, #tpu.memory_space<vmem_shared>> -> memref<128x16xf32, #tpu.memory_space<vmem_shared>>
      %dma_wait3A_60 = arith.constant 0 : i32
      %dma_wait3A_61 = tpu.memref_slice %arg4[%add3A_25, %dma_wait3A_60] : memref<10240x16xf32, #tpu.memory_space<vmem_shared>> -> memref<128x16xf32, #tpu.memory_space<vmem_shared>>
      tpu.wait_dma2 semaphore(%run_scoped3A : memref<!tpu.dma_semaphore, #tpu.memory_space<semaphore_mem>>) src(%arg7 : memref<128x16xf32, #tpu.memory_space<vmem>>) dst(%dma_wait3A_61 : memref<128x16xf32, #tpu.memory_space<vmem_shared>>)
      tpu.yield
    }) : () -> ()
    %mul3A_26 = arith.constant 640 : i32
    %mul3A_27 = arith.muli %arg1, %mul3A_26 : i32
    %add3A_28 = arith.constant 512 : i32
    %add3A_29 = arith.addi %mul3A_27, %add3A_28 : i32
    "tpu.region"() ({
      %run_scoped3A = tpu.sem_alloc : memref<!tpu.dma_semaphore, #tpu.memory_space<semaphore_mem>>
      %dma_start3A = arith.constant 0 : i32
      %dma_start3A_56 = tpu.memref_slice %arg4[%add3A_29, %dma_start3A] : memref<10240x16xf32, #tpu.memory_space<vmem_shared>> -> memref<128x16xf32, #tpu.memory_space<vmem_shared>>
      %dma_start3A_57 = arith.constant 0 : i32
      %dma_start3A_58 = tpu.memref_slice %arg4[%add3A_29, %dma_start3A_57] : memref<10240x16xf32, #tpu.memory_space<vmem_shared>> -> memref<128x16xf32, #tpu.memory_space<vmem_shared>>
      tpu.enqueue_dma source(%arg7 : memref<128x16xf32, #tpu.memory_space<vmem>>) target(%dma_start3A_58 : memref<128x16xf32, #tpu.memory_space<vmem_shared>>) target_semaphore(%run_scoped3A : memref<!tpu.dma_semaphore, #tpu.memory_space<semaphore_mem>>)
      %dma_wait3A = arith.constant 0 : i32
      %dma_wait3A_59 = tpu.memref_slice %arg4[%add3A_29, %dma_wait3A] : memref<10240x16xf32, #tpu.memory_space<vmem_shared>> -> memref<128x16xf32, #tpu.memory_space<vmem_shared>>
      %dma_wait3A_60 = arith.constant 0 : i32
      %dma_wait3A_61 = tpu.memref_slice %arg4[%add3A_29, %dma_wait3A_60] : memref<10240x16xf32, #tpu.memory_space<vmem_shared>> -> memref<128x16xf32, #tpu.memory_space<vmem_shared>>
      tpu.wait_dma2 semaphore(%run_scoped3A : memref<!tpu.dma_semaphore, #tpu.memory_space<semaphore_mem>>) src(%arg7 : memref<128x16xf32, #tpu.memory_space<vmem>>) dst(%dma_wait3A_61 : memref<128x16xf32, #tpu.memory_space<vmem_shared>>)
      tpu.yield
    }) : () -> ()
    %barrier3A = arith.constant 0 : index
    tpu.barrier barrier_id(%barrier3A)
    %scan3A_30 = arith.constant 0 : i32
    %scan3A_31 = arith.constant 125 : i32
    %scan3A_32 = arith.addi %scan3A_30, %scan3A_31 : i32
    %scan3A_33 = arith.constant 1 : i32
    scf.for %scan3A_56 = %scan3A_30 to %scan3A_32 step %scan3A_33  : i32 {
      %mul3A_57 = arith.constant 1 : i32
      %mul3A_58 = arith.muli %scan3A_56, %mul3A_57 : i32
      %add3A_59 = arith.constant 0 : i32
      %add3A_60 = arith.addi %add3A_59, %mul3A_58 : i32
      %mul3A_61 = arith.constant 10000 : i32
      %mul3A_62 = arith.muli %add3A, %mul3A_61 : i32
      %mul3A_63 = arith.constant 80 : i32
      %mul3A_64 = arith.muli %add3A_60, %mul3A_63 : i32
      %add3A_65 = arith.addi %mul3A_62, %mul3A_64 : i32
      "tpu.region"() ({
        %run_scoped3A = tpu.sem_alloc : memref<!tpu.dma_semaphore, #tpu.memory_space<semaphore_mem>>
        %dma_start3A = tpu.memref_slice %arg2[%add3A_65] : memref<320000xi32, #tpu.memory_space<hbm>> -> memref<80xi32, #tpu.memory_space<hbm>>
        %dma_start3A_66 = tpu.memref_slice %arg2[%add3A_65] : memref<320000xi32, #tpu.memory_space<hbm>> -> memref<80xi32, #tpu.memory_space<hbm>>
        tpu.enqueue_dma source(%dma_start3A_66 : memref<80xi32, #tpu.memory_space<hbm>>) target(%arg5 : memref<80xi32, #tpu.memory_space<vmem>>) target_semaphore(%run_scoped3A : memref<!tpu.dma_semaphore, #tpu.memory_space<semaphore_mem>>)
        %dma_wait3A = tpu.memref_slice %arg2[%add3A_65] : memref<320000xi32, #tpu.memory_space<hbm>> -> memref<80xi32, #tpu.memory_space<hbm>>
        %dma_wait3A_67 = tpu.memref_slice %arg2[%add3A_65] : memref<320000xi32, #tpu.memory_space<hbm>> -> memref<80xi32, #tpu.memory_space<hbm>>
        tpu.wait_dma2 semaphore(%run_scoped3A : memref<!tpu.dma_semaphore, #tpu.memory_space<semaphore_mem>>) src(%dma_wait3A_67 : memref<80xi32, #tpu.memory_space<hbm>>) dst(%arg5 : memref<80xi32, #tpu.memory_space<vmem>>)
        tpu.yield
      }) : () -> ()
      "tpu.region"() ({
        %run_scoped3A = tpu.sem_alloc : memref<!tpu.dma_semaphore, #tpu.memory_space<semaphore_mem>>
        %dma_start3A = arith.constant 0 : i32
        %dma_start3A_66 = arith.constant 0 : i32
        %dma_start3A_67 = tpu.memref_slice %arg4[%dma_start3A, %dma_start3A_66] : memref<10240x16xf32, #tpu.memory_space<vmem_shared>> -> memref<10240x16xf32, #tpu.memory_space<vmem_shared>>
        tpu.enqueue_indirect_dma source(%arg6 : memref<80x16xf32, #tpu.memory_space<vmem>>) target(%dma_start3A_67 : memref<10240x16xf32, #tpu.memory_space<vmem_shared>>) offsets(%arg5 : memref<80xi32, #tpu.memory_space<vmem>>) semaphore(%run_scoped3A : memref<!tpu.dma_semaphore, #tpu.memory_space<semaphore_mem>>) {add = true}
        %dma_wait3A = arith.constant 0 : i32
        %dma_wait3A_68 = arith.constant 0 : i32
        %dma_wait3A_69 = tpu.memref_slice %arg4[%dma_wait3A, %dma_wait3A_68] : memref<10240x16xf32, #tpu.memory_space<vmem_shared>> -> memref<10240x16xf32, #tpu.memory_space<vmem_shared>>
        tpu.wait_indirect_dma semaphore(%run_scoped3A : memref<!tpu.dma_semaphore, #tpu.memory_space<semaphore_mem>>) src(%arg6 : memref<80x16xf32, #tpu.memory_space<vmem>>) dst(%dma_wait3A_69 : memref<10240x16xf32, #tpu.memory_space<vmem_shared>>)
        tpu.yield
      }) : () -> ()
    }
    %scan3A_34 = arith.constant 125 : i32
    %barrier3A_35 = arith.constant 0 : index
    tpu.barrier barrier_id(%barrier3A_35)
    %mul3A_36 = arith.constant 640 : i32
    %mul3A_37 = arith.muli %arg1, %mul3A_36 : i32
    %add3A_38 = arith.constant 0 : i32
    %add3A_39 = arith.addi %mul3A_37, %add3A_38 : i32
    "tpu.region"() ({
      %run_scoped3A = tpu.sem_alloc : memref<!tpu.dma_semaphore, #tpu.memory_space<semaphore_mem>>
      %dma_start3A = arith.constant 0 : i32
      %dma_start3A_56 = tpu.memref_slice %arg3[%arg0, %add3A_39, %dma_start3A] : memref<2x10240x16xf32, #tpu.memory_space<hbm>> -> memref<1x128x16xf32, #tpu.memory_space<hbm>>
      %dma_start3A_57 = tpu.memref_squeeze %dma_start3A_56 : memref<1x128x16xf32, #tpu.memory_space<hbm>> -> memref<128x16xf32, #tpu.memory_space<hbm>>
      %dma_start3A_58 = arith.constant 0 : i32
      %dma_start3A_59 = tpu.memref_slice %arg4[%add3A_39, %dma_start3A_58] : memref<10240x16xf32, #tpu.memory_space<vmem_shared>> -> memref<128x16xf32, #tpu.memory_space<vmem_shared>>
      tpu.enqueue_dma source(%dma_start3A_59 : memref<128x16xf32, #tpu.memory_space<vmem_shared>>) target(%dma_start3A_57 : memref<128x16xf32, #tpu.memory_space<hbm>>) target_semaphore(%run_scoped3A : memref<!tpu.dma_semaphore, #tpu.memory_space<semaphore_mem>>)
      %dma_wait3A = arith.constant 0 : i32
      %dma_wait3A_60 = tpu.memref_slice %arg3[%arg0, %add3A_39, %dma_wait3A] : memref<2x10240x16xf32, #tpu.memory_space<hbm>> -> memref<1x128x16xf32, #tpu.memory_space<hbm>>
      %dma_wait3A_61 = tpu.memref_squeeze %dma_wait3A_60 : memref<1x128x16xf32, #tpu.memory_space<hbm>> -> memref<128x16xf32, #tpu.memory_space<hbm>>
      %dma_wait3A_62 = arith.constant 0 : i32
      %dma_wait3A_63 = tpu.memref_slice %arg4[%add3A_39, %dma_wait3A_62] : memref<10240x16xf32, #tpu.memory_space<vmem_shared>> -> memref<128x16xf32, #tpu.memory_space<vmem_shared>>
      tpu.wait_dma2 semaphore(%run_scoped3A : memref<!tpu.dma_semaphore, #tpu.memory_space<semaphore_mem>>) src(%dma_wait3A_63 : memref<128x16xf32, #tpu.memory_space<vmem_shared>>) dst(%dma_wait3A_61 : memref<128x16xf32, #tpu.memory_space<hbm>>)
      tpu.yield
    }) : () -> ()
    %mul3A_40 = arith.constant 640 : i32
    %mul3A_41 = arith.muli %arg1, %mul3A_40 : i32
    %add3A_42 = arith.constant 128 : i32
    %add3A_43 = arith.addi %mul3A_41, %add3A_42 : i32
    "tpu.region"() ({
      %run_scoped3A = tpu.sem_alloc : memref<!tpu.dma_semaphore, #tpu.memory_space<semaphore_mem>>
      %dma_start3A = arith.constant 0 : i32
      %dma_start3A_56 = tpu.memref_slice %arg3[%arg0, %add3A_43, %dma_start3A] : memref<2x10240x16xf32, #tpu.memory_space<hbm>> -> memref<1x128x16xf32, #tpu.memory_space<hbm>>
      %dma_start3A_57 = tpu.memref_squeeze %dma_start3A_56 : memref<1x128x16xf32, #tpu.memory_space<hbm>> -> memref<128x16xf32, #tpu.memory_space<hbm>>
      %dma_start3A_58 = arith.constant 0 : i32
      %dma_start3A_59 = tpu.memref_slice %arg4[%add3A_43, %dma_start3A_58] : memref<10240x16xf32, #tpu.memory_space<vmem_shared>> -> memref<128x16xf32, #tpu.memory_space<vmem_shared>>
      tpu.enqueue_dma source(%dma_start3A_59 : memref<128x16xf32, #tpu.memory_space<vmem_shared>>) target(%dma_start3A_57 : memref<128x16xf32, #tpu.memory_space<hbm>>) target_semaphore(%run_scoped3A : memref<!tpu.dma_semaphore, #tpu.memory_space<semaphore_mem>>)
      %dma_wait3A = arith.constant 0 : i32
      %dma_wait3A_60 = tpu.memref_slice %arg3[%arg0, %add3A_43, %dma_wait3A] : memref<2x10240x16xf32, #tpu.memory_space<hbm>> -> memref<1x128x16xf32, #tpu.memory_space<hbm>>
      %dma_wait3A_61 = tpu.memref_squeeze %dma_wait3A_60 : memref<1x128x16xf32, #tpu.memory_space<hbm>> -> memref<128x16xf32, #tpu.memory_space<hbm>>
      %dma_wait3A_62 = arith.constant 0 : i32
      %dma_wait3A_63 = tpu.memref_slice %arg4[%add3A_43, %dma_wait3A_62] : memref<10240x16xf32, #tpu.memory_space<vmem_shared>> -> memref<128x16xf32, #tpu.memory_space<vmem_shared>>
      tpu.wait_dma2 semaphore(%run_scoped3A : memref<!tpu.dma_semaphore, #tpu.memory_space<semaphore_mem>>) src(%dma_wait3A_63 : memref<128x16xf32, #tpu.memory_space<vmem_shared>>) dst(%dma_wait3A_61 : memref<128x16xf32, #tpu.memory_space<hbm>>)
      tpu.yield
    }) : () -> ()
    %mul3A_44 = arith.constant 640 : i32
    %mul3A_45 = arith.muli %arg1, %mul3A_44 : i32
    %add3A_46 = arith.constant 256 : i32
    %add3A_47 = arith.addi %mul3A_45, %add3A_46 : i32
    "tpu.region"() ({
      %run_scoped3A = tpu.sem_alloc : memref<!tpu.dma_semaphore, #tpu.memory_space<semaphore_mem>>
      %dma_start3A = arith.constant 0 : i32
      %dma_start3A_56 = tpu.memref_slice %arg3[%arg0, %add3A_47, %dma_start3A] : memref<2x10240x16xf32, #tpu.memory_space<hbm>> -> memref<1x128x16xf32, #tpu.memory_space<hbm>>
      %dma_start3A_57 = tpu.memref_squeeze %dma_start3A_56 : memref<1x128x16xf32, #tpu.memory_space<hbm>> -> memref<128x16xf32, #tpu.memory_space<hbm>>
      %dma_start3A_58 = arith.constant 0 : i32
      %dma_start3A_59 = tpu.memref_slice %arg4[%add3A_47, %dma_start3A_58] : memref<10240x16xf32, #tpu.memory_space<vmem_shared>> -> memref<128x16xf32, #tpu.memory_space<vmem_shared>>
      tpu.enqueue_dma source(%dma_start3A_59 : memref<128x16xf32, #tpu.memory_space<vmem_shared>>) target(%dma_start3A_57 : memref<128x16xf32, #tpu.memory_space<hbm>>) target_semaphore(%run_scoped3A : memref<!tpu.dma_semaphore, #tpu.memory_space<semaphore_mem>>)
      %dma_wait3A = arith.constant 0 : i32
      %dma_wait3A_60 = tpu.memref_slice %arg3[%arg0, %add3A_47, %dma_wait3A] : memref<2x10240x16xf32, #tpu.memory_space<hbm>> -> memref<1x128x16xf32, #tpu.memory_space<hbm>>
      %dma_wait3A_61 = tpu.memref_squeeze %dma_wait3A_60 : memref<1x128x16xf32, #tpu.memory_space<hbm>> -> memref<128x16xf32, #tpu.memory_space<hbm>>
      %dma_wait3A_62 = arith.constant 0 : i32
      %dma_wait3A_63 = tpu.memref_slice %arg4[%add3A_47, %dma_wait3A_62] : memref<10240x16xf32, #tpu.memory_space<vmem_shared>> -> memref<128x16xf32, #tpu.memory_space<vmem_shared>>
      tpu.wait_dma2 semaphore(%run_scoped3A : memref<!tpu.dma_semaphore, #tpu.memory_space<semaphore_mem>>) src(%dma_wait3A_63 : memref<128x16xf32, #tpu.memory_space<vmem_shared>>) dst(%dma_wait3A_61 : memref<128x16xf32, #tpu.memory_space<hbm>>)
      tpu.yield
    }) : () -> ()
    %mul3A_48 = arith.constant 640 : i32
    %mul3A_49 = arith.muli %arg1, %mul3A_48 : i32
    %add3A_50 = arith.constant 384 : i32
    %add3A_51 = arith.addi %mul3A_49, %add3A_50 : i32
    "tpu.region"() ({
      %run_scoped3A = tpu.sem_alloc : memref<!tpu.dma_semaphore, #tpu.memory_space<semaphore_mem>>
      %dma_start3A = arith.constant 0 : i32
      %dma_start3A_56 = tpu.memref_slice %arg3[%arg0, %add3A_51, %dma_start3A] : memref<2x10240x16xf32, #tpu.memory_space<hbm>> -> memref<1x128x16xf32, #tpu.memory_space<hbm>>
      %dma_start3A_57 = tpu.memref_squeeze %dma_start3A_56 : memref<1x128x16xf32, #tpu.memory_space<hbm>> -> memref<128x16xf32, #tpu.memory_space<hbm>>
      %dma_start3A_58 = arith.constant 0 : i32
      %dma_start3A_59 = tpu.memref_slice %arg4[%add3A_51, %dma_start3A_58] : memref<10240x16xf32, #tpu.memory_space<vmem_shared>> -> memref<128x16xf32, #tpu.memory_space<vmem_shared>>
      tpu.enqueue_dma source(%dma_start3A_59 : memref<128x16xf32, #tpu.memory_space<vmem_shared>>) target(%dma_start3A_57 : memref<128x16xf32, #tpu.memory_space<hbm>>) target_semaphore(%run_scoped3A : memref<!tpu.dma_semaphore, #tpu.memory_space<semaphore_mem>>)
      %dma_wait3A = arith.constant 0 : i32
      %dma_wait3A_60 = tpu.memref_slice %arg3[%arg0, %add3A_51, %dma_wait3A] : memref<2x10240x16xf32, #tpu.memory_space<hbm>> -> memref<1x128x16xf32, #tpu.memory_space<hbm>>
      %dma_wait3A_61 = tpu.memref_squeeze %dma_wait3A_60 : memref<1x128x16xf32, #tpu.memory_space<hbm>> -> memref<128x16xf32, #tpu.memory_space<hbm>>
      %dma_wait3A_62 = arith.constant 0 : i32
      %dma_wait3A_63 = tpu.memref_slice %arg4[%add3A_51, %dma_wait3A_62] : memref<10240x16xf32, #tpu.memory_space<vmem_shared>> -> memref<128x16xf32, #tpu.memory_space<vmem_shared>>
      tpu.wait_dma2 semaphore(%run_scoped3A : memref<!tpu.dma_semaphore, #tpu.memory_space<semaphore_mem>>) src(%dma_wait3A_63 : memref<128x16xf32, #tpu.memory_space<vmem_shared>>) dst(%dma_wait3A_61 : memref<128x16xf32, #tpu.memory_space<hbm>>)
      tpu.yield
    }) : () -> ()
    %mul3A_52 = arith.constant 640 : i32
    %mul3A_53 = arith.muli %arg1, %mul3A_52 : i32
    %add3A_54 = arith.constant 512 : i32
    %add3A_55 = arith.addi %mul3A_53, %add3A_54 : i32
    "tpu.region"() ({
      %run_scoped3A = tpu.sem_alloc : memref<!tpu.dma_semaphore, #tpu.memory_space<semaphore_mem>>
      %dma_start3A = arith.constant 0 : i32
      %dma_start3A_56 = tpu.memref_slice %arg3[%arg0, %add3A_55, %dma_start3A] : memref<2x10240x16xf32, #tpu.memory_space<hbm>> -> memref<1x128x16xf32, #tpu.memory_space<hbm>>
      %dma_start3A_57 = tpu.memref_squeeze %dma_start3A_56 : memref<1x128x16xf32, #tpu.memory_space<hbm>> -> memref<128x16xf32, #tpu.memory_space<hbm>>
      %dma_start3A_58 = arith.constant 0 : i32
      %dma_start3A_59 = tpu.memref_slice %arg4[%add3A_55, %dma_start3A_58] : memref<10240x16xf32, #tpu.memory_space<vmem_shared>> -> memref<128x16xf32, #tpu.memory_space<vmem_shared>>
      tpu.enqueue_dma source(%dma_start3A_59 : memref<128x16xf32, #tpu.memory_space<vmem_shared>>) target(%dma_start3A_57 : memref<128x16xf32, #tpu.memory_space<hbm>>) target_semaphore(%run_scoped3A : memref<!tpu.dma_semaphore, #tpu.memory_space<semaphore_mem>>)
      %dma_wait3A = arith.constant 0 : i32
      %dma_wait3A_60 = tpu.memref_slice %arg3[%arg0, %add3A_55, %dma_wait3A] : memref<2x10240x16xf32, #tpu.memory_space<hbm>> -> memref<1x128x16xf32, #tpu.memory_space<hbm>>
      %dma_wait3A_61 = tpu.memref_squeeze %dma_wait3A_60 : memref<1x128x16xf32, #tpu.memory_space<hbm>> -> memref<128x16xf32, #tpu.memory_space<hbm>>
      %dma_wait3A_62 = arith.constant 0 : i32
      %dma_wait3A_63 = tpu.memref_slice %arg4[%add3A_55, %dma_wait3A_62] : memref<10240x16xf32, #tpu.memory_space<vmem_shared>> -> memref<128x16xf32, #tpu.memory_space<vmem_shared>>
      tpu.wait_dma2 semaphore(%run_scoped3A : memref<!tpu.dma_semaphore, #tpu.memory_space<semaphore_mem>>) src(%dma_wait3A_63 : memref<128x16xf32, #tpu.memory_space<vmem_shared>>) dst(%dma_wait3A_61 : memref<128x16xf32, #tpu.memory_space<hbm>>)
      tpu.yield
    }) : () -> ()
    return
  }
}

#map = affine_map<(d0, d1) -> (0, 0)>
#map1 = affine_map<(d0, d1) -> (0)>
#map2 = affine_map<(d0, d1) -> (0, 0, 0)>
module attributes {stable_mosaic.version = 14 : i64} {
  func.func @_scatter_kernel(%arg0: i32, %arg1: i32, %arg2: memref<10000x128xf32, #tpu.memory_space<hbm>>, %arg3: memref<320000xi32, #tpu.memory_space<hbm>>, %arg4: memref<320000xi32, #tpu.memory_space<hbm>>, %arg5: memref<2x10240x128xf32, #tpu.memory_space<hbm>>, %arg6: memref<10240x128xf32, #tpu.memory_space<vmem_shared>>, %arg7: memref<80xi32, #tpu.memory_space<vmem>>, %arg8: memref<80xi32, #tpu.memory_space<vmem>>, %arg9: memref<80x128xf32, #tpu.memory_space<vmem>>, %arg10: memref<128x128xf32, #tpu.memory_space<vmem>>, %arg11: memref<!tpu.dma_semaphore, #tpu.memory_space<semaphore_mem>>) attributes {dimension_semantics = [#tpu.dimension_semantics<core_parallel>, #tpu.dimension_semantics<subcore_parallel>], iteration_bounds = array<i64: 2, 16>, scalar_prefetch = 0 : i64, scratch_operands = 6 : i64, tpu.core_type = #tpu.core_type<sc_vector_subcore>, window_params = [{transform_indices = #map}, {transform_indices = #map1}, {transform_indices = #map1}, {transform_indices = #map2}]} {
    %mul3A = arith.constant 2 : i32
    %mul3A_0 = arith.muli %arg1, %mul3A : i32
    %add3A = arith.addi %mul3A_0, %arg0 : i32
    %scan3A = arith.constant 0 : i32
    %scan3A_1 = arith.constant 128 : i32
    %scan3A_2 = arith.addi %scan3A, %scan3A_1 : i32
    %scan3A_3 = arith.constant 1 : i32
    scf.for %scan3A_51 = %scan3A to %scan3A_2 step %scan3A_3  : i32 {
      %mul3A_52 = arith.constant 1 : i32
      %mul3A_53 = arith.muli %scan3A_51, %mul3A_52 : i32
      %add3A_54 = arith.constant 0 : i32
      %add3A_55 = arith.addi %add3A_54, %mul3A_53 : i32
      %broadcast_in_dim3A = arith.constant 0.000000e+00 : f32
      %broadcast_in_dim3A_56 = vector.broadcast %broadcast_in_dim3A : f32 to vector<16xf32>
      %swap3A = arith.index_cast %add3A_55 : i32 to index
      %swap3A_57 = arith.constant 0 : index
      %swap3A_58 = tpu.vector_load %arg10[%swap3A, %swap3A_57] {strides = array<i32>} : memref<128x128xf32, #tpu.memory_space<vmem>>, vector<1x16xf32>,
      %swap3A_59 = vector.shape_cast %swap3A_58 : vector<1x16xf32> to vector<16xf32>
      %swap3A_60 = vector.shape_cast %broadcast_in_dim3A_56 : vector<16xf32> to vector<1x16xf32>
      tpu.vector_store %arg10[%swap3A, %swap3A_57], %swap3A_60 {strides = array<i32>} : memref<128x128xf32, #tpu.memory_space<vmem>>, vector<1x16xf32>,
      %broadcast_in_dim3A_61 = arith.constant 0.000000e+00 : f32
      %broadcast_in_dim3A_62 = vector.broadcast %broadcast_in_dim3A_61 : f32 to vector<16xf32>
      %swap3A_63 = arith.index_cast %add3A_55 : i32 to index
      %swap3A_64 = arith.constant 16 : index
      %swap3A_65 = tpu.vector_load %arg10[%swap3A_63, %swap3A_64] {strides = array<i32>} : memref<128x128xf32, #tpu.memory_space<vmem>>, vector<1x16xf32>,
      %swap3A_66 = vector.shape_cast %swap3A_65 : vector<1x16xf32> to vector<16xf32>
      %swap3A_67 = vector.shape_cast %broadcast_in_dim3A_62 : vector<16xf32> to vector<1x16xf32>
      tpu.vector_store %arg10[%swap3A_63, %swap3A_64], %swap3A_67 {strides = array<i32>} : memref<128x128xf32, #tpu.memory_space<vmem>>, vector<1x16xf32>,
      %broadcast_in_dim3A_68 = arith.constant 0.000000e+00 : f32
      %broadcast_in_dim3A_69 = vector.broadcast %broadcast_in_dim3A_68 : f32 to vector<16xf32>
      %swap3A_70 = arith.index_cast %add3A_55 : i32 to index
      %swap3A_71 = arith.constant 32 : index
      %swap3A_72 = tpu.vector_load %arg10[%swap3A_70, %swap3A_71] {strides = array<i32>} : memref<128x128xf32, #tpu.memory_space<vmem>>, vector<1x16xf32>,
      %swap3A_73 = vector.shape_cast %swap3A_72 : vector<1x16xf32> to vector<16xf32>
      %swap3A_74 = vector.shape_cast %broadcast_in_dim3A_69 : vector<16xf32> to vector<1x16xf32>
      tpu.vector_store %arg10[%swap3A_70, %swap3A_71], %swap3A_74 {strides = array<i32>} : memref<128x128xf32, #tpu.memory_space<vmem>>, vector<1x16xf32>,
      %broadcast_in_dim3A_75 = arith.constant 0.000000e+00 : f32
      %broadcast_in_dim3A_76 = vector.broadcast %broadcast_in_dim3A_75 : f32 to vector<16xf32>
      %swap3A_77 = arith.index_cast %add3A_55 : i32 to index
      %swap3A_78 = arith.constant 48 : index
      %swap3A_79 = tpu.vector_load %arg10[%swap3A_77, %swap3A_78] {strides = array<i32>} : memref<128x128xf32, #tpu.memory_space<vmem>>, vector<1x16xf32>,
      %swap3A_80 = vector.shape_cast %swap3A_79 : vector<1x16xf32> to vector<16xf32>
      %swap3A_81 = vector.shape_cast %broadcast_in_dim3A_76 : vector<16xf32> to vector<1x16xf32>
      tpu.vector_store %arg10[%swap3A_77, %swap3A_78], %swap3A_81 {strides = array<i32>} : memref<128x128xf32, #tpu.memory_space<vmem>>, vector<1x16xf32>,
      %broadcast_in_dim3A_82 = arith.constant 0.000000e+00 : f32
      %broadcast_in_dim3A_83 = vector.broadcast %broadcast_in_dim3A_82 : f32 to vector<16xf32>
      %swap3A_84 = arith.index_cast %add3A_55 : i32 to index
      %swap3A_85 = arith.constant 64 : index
      %swap3A_86 = tpu.vector_load %arg10[%swap3A_84, %swap3A_85] {strides = array<i32>} : memref<128x128xf32, #tpu.memory_space<vmem>>, vector<1x16xf32>,
      %swap3A_87 = vector.shape_cast %swap3A_86 : vector<1x16xf32> to vector<16xf32>
      %swap3A_88 = vector.shape_cast %broadcast_in_dim3A_83 : vector<16xf32> to vector<1x16xf32>
      tpu.vector_store %arg10[%swap3A_84, %swap3A_85], %swap3A_88 {strides = array<i32>} : memref<128x128xf32, #tpu.memory_space<vmem>>, vector<1x16xf32>,
      %broadcast_in_dim3A_89 = arith.constant 0.000000e+00 : f32
      %broadcast_in_dim3A_90 = vector.broadcast %broadcast_in_dim3A_89 : f32 to vector<16xf32>
      %swap3A_91 = arith.index_cast %add3A_55 : i32 to index
      %swap3A_92 = arith.constant 80 : index
      %swap3A_93 = tpu.vector_load %arg10[%swap3A_91, %swap3A_92] {strides = array<i32>} : memref<128x128xf32, #tpu.memory_space<vmem>>, vector<1x16xf32>,
      %swap3A_94 = vector.shape_cast %swap3A_93 : vector<1x16xf32> to vector<16xf32>
      %swap3A_95 = vector.shape_cast %broadcast_in_dim3A_90 : vector<16xf32> to vector<1x16xf32>
      tpu.vector_store %arg10[%swap3A_91, %swap3A_92], %swap3A_95 {strides = array<i32>} : memref<128x128xf32, #tpu.memory_space<vmem>>, vector<1x16xf32>,
      %broadcast_in_dim3A_96 = arith.constant 0.000000e+00 : f32
      %broadcast_in_dim3A_97 = vector.broadcast %broadcast_in_dim3A_96 : f32 to vector<16xf32>
      %swap3A_98 = arith.index_cast %add3A_55 : i32 to index
      %swap3A_99 = arith.constant 96 : index
      %swap3A_100 = tpu.vector_load %arg10[%swap3A_98, %swap3A_99] {strides = array<i32>} : memref<128x128xf32, #tpu.memory_space<vmem>>, vector<1x16xf32>,
      %swap3A_101 = vector.shape_cast %swap3A_100 : vector<1x16xf32> to vector<16xf32>
      %swap3A_102 = vector.shape_cast %broadcast_in_dim3A_97 : vector<16xf32> to vector<1x16xf32>
      tpu.vector_store %arg10[%swap3A_98, %swap3A_99], %swap3A_102 {strides = array<i32>} : memref<128x128xf32, #tpu.memory_space<vmem>>, vector<1x16xf32>,
      %broadcast_in_dim3A_103 = arith.constant 0.000000e+00 : f32
      %broadcast_in_dim3A_104 = vector.broadcast %broadcast_in_dim3A_103 : f32 to vector<16xf32>
      %swap3A_105 = arith.index_cast %add3A_55 : i32 to index
      %swap3A_106 = arith.constant 112 : index
      %swap3A_107 = tpu.vector_load %arg10[%swap3A_105, %swap3A_106] {strides = array<i32>} : memref<128x128xf32, #tpu.memory_space<vmem>>, vector<1x16xf32>,
      %swap3A_108 = vector.shape_cast %swap3A_107 : vector<1x16xf32> to vector<16xf32>
      %swap3A_109 = vector.shape_cast %broadcast_in_dim3A_104 : vector<16xf32> to vector<1x16xf32>
      tpu.vector_store %arg10[%swap3A_105, %swap3A_106], %swap3A_109 {strides = array<i32>} : memref<128x128xf32, #tpu.memory_space<vmem>>, vector<1x16xf32>,
    }
    %scan3A_4 = arith.constant 128 : i32
    %mul3A_5 = arith.constant 640 : i32
    %mul3A_6 = arith.muli %arg1, %mul3A_5 : i32
    %add3A_7 = arith.constant 0 : i32
    %add3A_8 = arith.addi %mul3A_6, %add3A_7 : i32
    "tpu.region"() ({
      %run_scoped3A = tpu.sem_alloc : memref<!tpu.dma_semaphore, #tpu.memory_space<semaphore_mem>>
      %dma_start3A = arith.constant 0 : i32
      %dma_start3A_51 = tpu.memref_slice %arg6[%add3A_8, %dma_start3A] : memref<10240x128xf32, #tpu.memory_space<vmem_shared>> -> memref<128x128xf32, #tpu.memory_space<vmem_shared>>
      %dma_start3A_52 = arith.constant 0 : i32
      %dma_start3A_53 = tpu.memref_slice %arg6[%add3A_8, %dma_start3A_52] : memref<10240x128xf32, #tpu.memory_space<vmem_shared>> -> memref<128x128xf32, #tpu.memory_space<vmem_shared>>
      tpu.enqueue_dma source(%arg10 : memref<128x128xf32, #tpu.memory_space<vmem>>) target(%dma_start3A_53 : memref<128x128xf32, #tpu.memory_space<vmem_shared>>) target_semaphore(%run_scoped3A : memref<!tpu.dma_semaphore, #tpu.memory_space<semaphore_mem>>)
      %dma_wait3A = arith.constant 0 : i32
      %dma_wait3A_54 = tpu.memref_slice %arg6[%add3A_8, %dma_wait3A] : memref<10240x128xf32, #tpu.memory_space<vmem_shared>> -> memref<128x128xf32, #tpu.memory_space<vmem_shared>>
      %dma_wait3A_55 = arith.constant 0 : i32
      %dma_wait3A_56 = tpu.memref_slice %arg6[%add3A_8, %dma_wait3A_55] : memref<10240x128xf32, #tpu.memory_space<vmem_shared>> -> memref<128x128xf32, #tpu.memory_space<vmem_shared>>
      tpu.wait_dma2 semaphore(%run_scoped3A : memref<!tpu.dma_semaphore, #tpu.memory_space<semaphore_mem>>) src(%arg10 : memref<128x128xf32, #tpu.memory_space<vmem>>) dst(%dma_wait3A_56 : memref<128x128xf32, #tpu.memory_space<vmem_shared>>)
      tpu.yield
    }) : () -> ()
    %mul3A_9 = arith.constant 640 : i32
    %mul3A_10 = arith.muli %arg1, %mul3A_9 : i32
    %add3A_11 = arith.constant 128 : i32
    %add3A_12 = arith.addi %mul3A_10, %add3A_11 : i32
    "tpu.region"() ({
      %run_scoped3A = tpu.sem_alloc : memref<!tpu.dma_semaphore, #tpu.memory_space<semaphore_mem>>
      %dma_start3A = arith.constant 0 : i32
      %dma_start3A_51 = tpu.memref_slice %arg6[%add3A_12, %dma_start3A] : memref<10240x128xf32, #tpu.memory_space<vmem_shared>> -> memref<128x128xf32, #tpu.memory_space<vmem_shared>>
      %dma_start3A_52 = arith.constant 0 : i32
      %dma_start3A_53 = tpu.memref_slice %arg6[%add3A_12, %dma_start3A_52] : memref<10240x128xf32, #tpu.memory_space<vmem_shared>> -> memref<128x128xf32, #tpu.memory_space<vmem_shared>>
      tpu.enqueue_dma source(%arg10 : memref<128x128xf32, #tpu.memory_space<vmem>>) target(%dma_start3A_53 : memref<128x128xf32, #tpu.memory_space<vmem_shared>>) target_semaphore(%run_scoped3A : memref<!tpu.dma_semaphore, #tpu.memory_space<semaphore_mem>>)
      %dma_wait3A = arith.constant 0 : i32
      %dma_wait3A_54 = tpu.memref_slice %arg6[%add3A_12, %dma_wait3A] : memref<10240x128xf32, #tpu.memory_space<vmem_shared>> -> memref<128x128xf32, #tpu.memory_space<vmem_shared>>
      %dma_wait3A_55 = arith.constant 0 : i32
      %dma_wait3A_56 = tpu.memref_slice %arg6[%add3A_12, %dma_wait3A_55] : memref<10240x128xf32, #tpu.memory_space<vmem_shared>> -> memref<128x128xf32, #tpu.memory_space<vmem_shared>>
      tpu.wait_dma2 semaphore(%run_scoped3A : memref<!tpu.dma_semaphore, #tpu.memory_space<semaphore_mem>>) src(%arg10 : memref<128x128xf32, #tpu.memory_space<vmem>>) dst(%dma_wait3A_56 : memref<128x128xf32, #tpu.memory_space<vmem_shared>>)
      tpu.yield
    }) : () -> ()
    %mul3A_13 = arith.constant 640 : i32
    %mul3A_14 = arith.muli %arg1, %mul3A_13 : i32
    %add3A_15 = arith.constant 256 : i32
    %add3A_16 = arith.addi %mul3A_14, %add3A_15 : i32
    "tpu.region"() ({
      %run_scoped3A = tpu.sem_alloc : memref<!tpu.dma_semaphore, #tpu.memory_space<semaphore_mem>>
      %dma_start3A = arith.constant 0 : i32
      %dma_start3A_51 = tpu.memref_slice %arg6[%add3A_16, %dma_start3A] : memref<10240x128xf32, #tpu.memory_space<vmem_shared>> -> memref<128x128xf32, #tpu.memory_space<vmem_shared>>
      %dma_start3A_52 = arith.constant 0 : i32
      %dma_start3A_53 = tpu.memref_slice %arg6[%add3A_16, %dma_start3A_52] : memref<10240x128xf32, #tpu.memory_space<vmem_shared>> -> memref<128x128xf32, #tpu.memory_space<vmem_shared>>
      tpu.enqueue_dma source(%arg10 : memref<128x128xf32, #tpu.memory_space<vmem>>) target(%dma_start3A_53 : memref<128x128xf32, #tpu.memory_space<vmem_shared>>) target_semaphore(%run_scoped3A : memref<!tpu.dma_semaphore, #tpu.memory_space<semaphore_mem>>)
      %dma_wait3A = arith.constant 0 : i32
      %dma_wait3A_54 = tpu.memref_slice %arg6[%add3A_16, %dma_wait3A] : memref<10240x128xf32, #tpu.memory_space<vmem_shared>> -> memref<128x128xf32, #tpu.memory_space<vmem_shared>>
      %dma_wait3A_55 = arith.constant 0 : i32
      %dma_wait3A_56 = tpu.memref_slice %arg6[%add3A_16, %dma_wait3A_55] : memref<10240x128xf32, #tpu.memory_space<vmem_shared>> -> memref<128x128xf32, #tpu.memory_space<vmem_shared>>
      tpu.wait_dma2 semaphore(%run_scoped3A : memref<!tpu.dma_semaphore, #tpu.memory_space<semaphore_mem>>) src(%arg10 : memref<128x128xf32, #tpu.memory_space<vmem>>) dst(%dma_wait3A_56 : memref<128x128xf32, #tpu.memory_space<vmem_shared>>)
      tpu.yield
    }) : () -> ()
    %mul3A_17 = arith.constant 640 : i32
    %mul3A_18 = arith.muli %arg1, %mul3A_17 : i32
    %add3A_19 = arith.constant 384 : i32
    %add3A_20 = arith.addi %mul3A_18, %add3A_19 : i32
    "tpu.region"() ({
      %run_scoped3A = tpu.sem_alloc : memref<!tpu.dma_semaphore, #tpu.memory_space<semaphore_mem>>
      %dma_start3A = arith.constant 0 : i32
      %dma_start3A_51 = tpu.memref_slice %arg6[%add3A_20, %dma_start3A] : memref<10240x128xf32, #tpu.memory_space<vmem_shared>> -> memref<128x128xf32, #tpu.memory_space<vmem_shared>>
      %dma_start3A_52 = arith.constant 0 : i32
      %dma_start3A_53 = tpu.memref_slice %arg6[%add3A_20, %dma_start3A_52] : memref<10240x128xf32, #tpu.memory_space<vmem_shared>> -> memref<128x128xf32, #tpu.memory_space<vmem_shared>>
      tpu.enqueue_dma source(%arg10 : memref<128x128xf32, #tpu.memory_space<vmem>>) target(%dma_start3A_53 : memref<128x128xf32, #tpu.memory_space<vmem_shared>>) target_semaphore(%run_scoped3A : memref<!tpu.dma_semaphore, #tpu.memory_space<semaphore_mem>>)
      %dma_wait3A = arith.constant 0 : i32
      %dma_wait3A_54 = tpu.memref_slice %arg6[%add3A_20, %dma_wait3A] : memref<10240x128xf32, #tpu.memory_space<vmem_shared>> -> memref<128x128xf32, #tpu.memory_space<vmem_shared>>
      %dma_wait3A_55 = arith.constant 0 : i32
      %dma_wait3A_56 = tpu.memref_slice %arg6[%add3A_20, %dma_wait3A_55] : memref<10240x128xf32, #tpu.memory_space<vmem_shared>> -> memref<128x128xf32, #tpu.memory_space<vmem_shared>>
      tpu.wait_dma2 semaphore(%run_scoped3A : memref<!tpu.dma_semaphore, #tpu.memory_space<semaphore_mem>>) src(%arg10 : memref<128x128xf32, #tpu.memory_space<vmem>>) dst(%dma_wait3A_56 : memref<128x128xf32, #tpu.memory_space<vmem_shared>>)
      tpu.yield
    }) : () -> ()
    %mul3A_21 = arith.constant 640 : i32
    %mul3A_22 = arith.muli %arg1, %mul3A_21 : i32
    %add3A_23 = arith.constant 512 : i32
    %add3A_24 = arith.addi %mul3A_22, %add3A_23 : i32
    "tpu.region"() ({
      %run_scoped3A = tpu.sem_alloc : memref<!tpu.dma_semaphore, #tpu.memory_space<semaphore_mem>>
      %dma_start3A = arith.constant 0 : i32
      %dma_start3A_51 = tpu.memref_slice %arg6[%add3A_24, %dma_start3A] : memref<10240x128xf32, #tpu.memory_space<vmem_shared>> -> memref<128x128xf32, #tpu.memory_space<vmem_shared>>
      %dma_start3A_52 = arith.constant 0 : i32
      %dma_start3A_53 = tpu.memref_slice %arg6[%add3A_24, %dma_start3A_52] : memref<10240x128xf32, #tpu.memory_space<vmem_shared>> -> memref<128x128xf32, #tpu.memory_space<vmem_shared>>
      tpu.enqueue_dma source(%arg10 : memref<128x128xf32, #tpu.memory_space<vmem>>) target(%dma_start3A_53 : memref<128x128xf32, #tpu.memory_space<vmem_shared>>) target_semaphore(%run_scoped3A : memref<!tpu.dma_semaphore, #tpu.memory_space<semaphore_mem>>)
      %dma_wait3A = arith.constant 0 : i32
      %dma_wait3A_54 = tpu.memref_slice %arg6[%add3A_24, %dma_wait3A] : memref<10240x128xf32, #tpu.memory_space<vmem_shared>> -> memref<128x128xf32, #tpu.memory_space<vmem_shared>>
      %dma_wait3A_55 = arith.constant 0 : i32
      %dma_wait3A_56 = tpu.memref_slice %arg6[%add3A_24, %dma_wait3A_55] : memref<10240x128xf32, #tpu.memory_space<vmem_shared>> -> memref<128x128xf32, #tpu.memory_space<vmem_shared>>
      tpu.wait_dma2 semaphore(%run_scoped3A : memref<!tpu.dma_semaphore, #tpu.memory_space<semaphore_mem>>) src(%arg10 : memref<128x128xf32, #tpu.memory_space<vmem>>) dst(%dma_wait3A_56 : memref<128x128xf32, #tpu.memory_space<vmem_shared>>)
      tpu.yield
    }) : () -> ()
    %barrier3A = arith.constant 0 : index
    tpu.barrier barrier_id(%barrier3A)
    %scan3A_25 = arith.constant 0 : i32
    %scan3A_26 = arith.constant 125 : i32
    %scan3A_27 = arith.addi %scan3A_25, %scan3A_26 : i32
    %scan3A_28 = arith.constant 1 : i32
    scf.for %scan3A_51 = %scan3A_25 to %scan3A_27 step %scan3A_28  : i32 {
      %mul3A_52 = arith.constant 1 : i32
      %mul3A_53 = arith.muli %scan3A_51, %mul3A_52 : i32
      %add3A_54 = arith.constant 0 : i32
      %add3A_55 = arith.addi %add3A_54, %mul3A_53 : i32
      %mul3A_56 = arith.constant 10000 : i32
      %mul3A_57 = arith.muli %add3A, %mul3A_56 : i32
      %mul3A_58 = arith.constant 80 : i32
      %mul3A_59 = arith.muli %add3A_55, %mul3A_58 : i32
      %add3A_60 = arith.addi %mul3A_57, %mul3A_59 : i32
      "tpu.region"() ({
        %run_scoped3A = tpu.sem_alloc : memref<!tpu.dma_semaphore, #tpu.memory_space<semaphore_mem>>
        %dma_start3A_65 = tpu.memref_slice %arg3[%add3A_60] : memref<320000xi32, #tpu.memory_space<hbm>> -> memref<80xi32, #tpu.memory_space<hbm>>
        %dma_start3A_66 = tpu.memref_slice %arg3[%add3A_60] : memref<320000xi32, #tpu.memory_space<hbm>> -> memref<80xi32, #tpu.memory_space<hbm>>
        tpu.enqueue_dma source(%dma_start3A_66 : memref<80xi32, #tpu.memory_space<hbm>>) target(%arg7 : memref<80xi32, #tpu.memory_space<vmem>>) target_semaphore(%run_scoped3A : memref<!tpu.dma_semaphore, #tpu.memory_space<semaphore_mem>>)
        %dma_wait3A_67 = tpu.memref_slice %arg3[%add3A_60] : memref<320000xi32, #tpu.memory_space<hbm>> -> memref<80xi32, #tpu.memory_space<hbm>>
        %dma_wait3A_68 = tpu.memref_slice %arg3[%add3A_60] : memref<320000xi32, #tpu.memory_space<hbm>> -> memref<80xi32, #tpu.memory_space<hbm>>
        tpu.wait_dma2 semaphore(%run_scoped3A : memref<!tpu.dma_semaphore, #tpu.memory_space<semaphore_mem>>) src(%dma_wait3A_68 : memref<80xi32, #tpu.memory_space<hbm>>) dst(%arg7 : memref<80xi32, #tpu.memory_space<vmem>>)
        tpu.yield
      }) : () -> ()
      "tpu.region"() ({
        %run_scoped3A = tpu.sem_alloc : memref<!tpu.dma_semaphore, #tpu.memory_space<semaphore_mem>>
        %dma_start3A_65 = tpu.memref_slice %arg4[%add3A_60] : memref<320000xi32, #tpu.memory_space<hbm>> -> memref<80xi32, #tpu.memory_space<hbm>>
        %dma_start3A_66 = tpu.memref_slice %arg4[%add3A_60] : memref<320000xi32, #tpu.memory_space<hbm>> -> memref<80xi32, #tpu.memory_space<hbm>>
        tpu.enqueue_dma source(%dma_start3A_66 : memref<80xi32, #tpu.memory_space<hbm>>) target(%arg8 : memref<80xi32, #tpu.memory_space<vmem>>) target_semaphore(%run_scoped3A : memref<!tpu.dma_semaphore, #tpu.memory_space<semaphore_mem>>)
        %dma_wait3A_67 = tpu.memref_slice %arg4[%add3A_60] : memref<320000xi32, #tpu.memory_space<hbm>> -> memref<80xi32, #tpu.memory_space<hbm>>
        %dma_wait3A_68 = tpu.memref_slice %arg4[%add3A_60] : memref<320000xi32, #tpu.memory_space<hbm>> -> memref<80xi32, #tpu.memory_space<hbm>>
        tpu.wait_dma2 semaphore(%run_scoped3A : memref<!tpu.dma_semaphore, #tpu.memory_space<semaphore_mem>>) src(%dma_wait3A_68 : memref<80xi32, #tpu.memory_space<hbm>>) dst(%arg8 : memref<80xi32, #tpu.memory_space<vmem>>)
        tpu.yield
      }) : () -> ()
      %dma_start3A = arith.constant 0 : i32
      %dma_start3A_61 = arith.constant 0 : i32
      %dma_start3A_62 = tpu.memref_slice %arg2[%dma_start3A, %dma_start3A_61] : memref<10000x128xf32, #tpu.memory_space<hbm>> -> memref<10000x128xf32, #tpu.memory_space<hbm>>
      tpu.enqueue_indirect_dma source(%dma_start3A_62 : memref<10000x128xf32, #tpu.memory_space<hbm>>) target(%arg9 : memref<80x128xf32, #tpu.memory_space<vmem>>) offsets(%arg7 : memref<80xi32, #tpu.memory_space<vmem>>) semaphore(%arg11 : memref<!tpu.dma_semaphore, #tpu.memory_space<semaphore_mem>>)
      %dma_wait3A = arith.constant 0 : i32
      %dma_wait3A_63 = arith.constant 0 : i32
      %dma_wait3A_64 = tpu.memref_slice %arg2[%dma_wait3A, %dma_wait3A_63] : memref<10000x128xf32, #tpu.memory_space<hbm>> -> memref<10000x128xf32, #tpu.memory_space<hbm>>
      tpu.wait_indirect_dma semaphore(%arg11 : memref<!tpu.dma_semaphore, #tpu.memory_space<semaphore_mem>>) src(%dma_wait3A_64 : memref<10000x128xf32, #tpu.memory_space<hbm>>) dst(%arg9 : memref<80x128xf32, #tpu.memory_space<vmem>>)
      "tpu.region"() ({
        %run_scoped3A = tpu.sem_alloc : memref<!tpu.dma_semaphore, #tpu.memory_space<semaphore_mem>>
        %dma_start3A_65 = arith.constant 0 : i32
        %dma_start3A_66 = arith.constant 0 : i32
        %dma_start3A_67 = tpu.memref_slice %arg6[%dma_start3A_65, %dma_start3A_66] : memref<10240x128xf32, #tpu.memory_space<vmem_shared>> -> memref<10240x128xf32, #tpu.memory_space<vmem_shared>>
        tpu.enqueue_indirect_dma source(%arg9 : memref<80x128xf32, #tpu.memory_space<vmem>>) target(%dma_start3A_67 : memref<10240x128xf32, #tpu.memory_space<vmem_shared>>) offsets(%arg8 : memref<80xi32, #tpu.memory_space<vmem>>) semaphore(%run_scoped3A : memref<!tpu.dma_semaphore, #tpu.memory_space<semaphore_mem>>) {add = true}
        %dma_wait3A_68 = arith.constant 0 : i32
        %dma_wait3A_69 = arith.constant 0 : i32
        %dma_wait3A_70 = tpu.memref_slice %arg6[%dma_wait3A_68, %dma_wait3A_69] : memref<10240x128xf32, #tpu.memory_space<vmem_shared>> -> memref<10240x128xf32, #tpu.memory_space<vmem_shared>>
        tpu.wait_indirect_dma semaphore(%run_scoped3A : memref<!tpu.dma_semaphore, #tpu.memory_space<semaphore_mem>>) src(%arg9 : memref<80x128xf32, #tpu.memory_space<vmem>>) dst(%dma_wait3A_70 : memref<10240x128xf32, #tpu.memory_space<vmem_shared>>)
        tpu.yield
      }) : () -> ()
    }
    %scan3A_29 = arith.constant 125 : i32
    %barrier3A_30 = arith.constant 0 : index
    tpu.barrier barrier_id(%barrier3A_30)
    %mul3A_31 = arith.constant 640 : i32
    %mul3A_32 = arith.muli %arg1, %mul3A_31 : i32
    %add3A_33 = arith.constant 0 : i32
    %add3A_34 = arith.addi %mul3A_32, %add3A_33 : i32
    "tpu.region"() ({
      %run_scoped3A = tpu.sem_alloc : memref<!tpu.dma_semaphore, #tpu.memory_space<semaphore_mem>>
      %dma_start3A = arith.constant 0 : i32
      %dma_start3A_51 = tpu.memref_slice %arg5[%arg0, %add3A_34, %dma_start3A] : memref<2x10240x128xf32, #tpu.memory_space<hbm>> -> memref<1x128x128xf32, #tpu.memory_space<hbm>>
      %dma_start3A_52 = tpu.memref_squeeze %dma_start3A_51 : memref<1x128x128xf32, #tpu.memory_space<hbm>> -> memref<128x128xf32, #tpu.memory_space<hbm>>
      %dma_start3A_53 = arith.constant 0 : i32
      %dma_start3A_54 = tpu.memref_slice %arg6[%add3A_34, %dma_start3A_53] : memref<10240x128xf32, #tpu.memory_space<vmem_shared>> -> memref<128x128xf32, #tpu.memory_space<vmem_shared>>
      tpu.enqueue_dma source(%dma_start3A_54 : memref<128x128xf32, #tpu.memory_space<vmem_shared>>) target(%dma_start3A_52 : memref<128x128xf32, #tpu.memory_space<hbm>>) target_semaphore(%run_scoped3A : memref<!tpu.dma_semaphore, #tpu.memory_space<semaphore_mem>>)
      %dma_wait3A = arith.constant 0 : i32
      %dma_wait3A_55 = tpu.memref_slice %arg5[%arg0, %add3A_34, %dma_wait3A] : memref<2x10240x128xf32, #tpu.memory_space<hbm>> -> memref<1x128x128xf32, #tpu.memory_space<hbm>>
      %dma_wait3A_56 = tpu.memref_squeeze %dma_wait3A_55 : memref<1x128x128xf32, #tpu.memory_space<hbm>> -> memref<128x128xf32, #tpu.memory_space<hbm>>
      %dma_wait3A_57 = arith.constant 0 : i32
      %dma_wait3A_58 = tpu.memref_slice %arg6[%add3A_34, %dma_wait3A_57] : memref<10240x128xf32, #tpu.memory_space<vmem_shared>> -> memref<128x128xf32, #tpu.memory_space<vmem_shared>>
      tpu.wait_dma2 semaphore(%run_scoped3A : memref<!tpu.dma_semaphore, #tpu.memory_space<semaphore_mem>>) src(%dma_wait3A_58 : memref<128x128xf32, #tpu.memory_space<vmem_shared>>) dst(%dma_wait3A_56 : memref<128x128xf32, #tpu.memory_space<hbm>>)
      tpu.yield
    }) : () -> ()
    %mul3A_35 = arith.constant 640 : i32
    %mul3A_36 = arith.muli %arg1, %mul3A_35 : i32
    %add3A_37 = arith.constant 128 : i32
    %add3A_38 = arith.addi %mul3A_36, %add3A_37 : i32
    "tpu.region"() ({
      %run_scoped3A = tpu.sem_alloc : memref<!tpu.dma_semaphore, #tpu.memory_space<semaphore_mem>>
      %dma_start3A = arith.constant 0 : i32
      %dma_start3A_51 = tpu.memref_slice %arg5[%arg0, %add3A_38, %dma_start3A] : memref<2x10240x128xf32, #tpu.memory_space<hbm>> -> memref<1x128x128xf32, #tpu.memory_space<hbm>>
      %dma_start3A_52 = tpu.memref_squeeze %dma_start3A_51 : memref<1x128x128xf32, #tpu.memory_space<hbm>> -> memref<128x128xf32, #tpu.memory_space<hbm>>
      %dma_start3A_53 = arith.constant 0 : i32
      %dma_start3A_54 = tpu.memref_slice %arg6[%add3A_38, %dma_start3A_53] : memref<10240x128xf32, #tpu.memory_space<vmem_shared>> -> memref<128x128xf32, #tpu.memory_space<vmem_shared>>
      tpu.enqueue_dma source(%dma_start3A_54 : memref<128x128xf32, #tpu.memory_space<vmem_shared>>) target(%dma_start3A_52 : memref<128x128xf32, #tpu.memory_space<hbm>>) target_semaphore(%run_scoped3A : memref<!tpu.dma_semaphore, #tpu.memory_space<semaphore_mem>>)
      %dma_wait3A = arith.constant 0 : i32
      %dma_wait3A_55 = tpu.memref_slice %arg5[%arg0, %add3A_38, %dma_wait3A] : memref<2x10240x128xf32, #tpu.memory_space<hbm>> -> memref<1x128x128xf32, #tpu.memory_space<hbm>>
      %dma_wait3A_56 = tpu.memref_squeeze %dma_wait3A_55 : memref<1x128x128xf32, #tpu.memory_space<hbm>> -> memref<128x128xf32, #tpu.memory_space<hbm>>
      %dma_wait3A_57 = arith.constant 0 : i32
      %dma_wait3A_58 = tpu.memref_slice %arg6[%add3A_38, %dma_wait3A_57] : memref<10240x128xf32, #tpu.memory_space<vmem_shared>> -> memref<128x128xf32, #tpu.memory_space<vmem_shared>>
      tpu.wait_dma2 semaphore(%run_scoped3A : memref<!tpu.dma_semaphore, #tpu.memory_space<semaphore_mem>>) src(%dma_wait3A_58 : memref<128x128xf32, #tpu.memory_space<vmem_shared>>) dst(%dma_wait3A_56 : memref<128x128xf32, #tpu.memory_space<hbm>>)
      tpu.yield
    }) : () -> ()
    %mul3A_39 = arith.constant 640 : i32
    %mul3A_40 = arith.muli %arg1, %mul3A_39 : i32
    %add3A_41 = arith.constant 256 : i32
    %add3A_42 = arith.addi %mul3A_40, %add3A_41 : i32
    "tpu.region"() ({
      %run_scoped3A = tpu.sem_alloc : memref<!tpu.dma_semaphore, #tpu.memory_space<semaphore_mem>>
      %dma_start3A = arith.constant 0 : i32
      %dma_start3A_51 = tpu.memref_slice %arg5[%arg0, %add3A_42, %dma_start3A] : memref<2x10240x128xf32, #tpu.memory_space<hbm>> -> memref<1x128x128xf32, #tpu.memory_space<hbm>>
      %dma_start3A_52 = tpu.memref_squeeze %dma_start3A_51 : memref<1x128x128xf32, #tpu.memory_space<hbm>> -> memref<128x128xf32, #tpu.memory_space<hbm>>
      %dma_start3A_53 = arith.constant 0 : i32
      %dma_start3A_54 = tpu.memref_slice %arg6[%add3A_42, %dma_start3A_53] : memref<10240x128xf32, #tpu.memory_space<vmem_shared>> -> memref<128x128xf32, #tpu.memory_space<vmem_shared>>
      tpu.enqueue_dma source(%dma_start3A_54 : memref<128x128xf32, #tpu.memory_space<vmem_shared>>) target(%dma_start3A_52 : memref<128x128xf32, #tpu.memory_space<hbm>>) target_semaphore(%run_scoped3A : memref<!tpu.dma_semaphore, #tpu.memory_space<semaphore_mem>>)
      %dma_wait3A = arith.constant 0 : i32
      %dma_wait3A_55 = tpu.memref_slice %arg5[%arg0, %add3A_42, %dma_wait3A] : memref<2x10240x128xf32, #tpu.memory_space<hbm>> -> memref<1x128x128xf32, #tpu.memory_space<hbm>>
      %dma_wait3A_56 = tpu.memref_squeeze %dma_wait3A_55 : memref<1x128x128xf32, #tpu.memory_space<hbm>> -> memref<128x128xf32, #tpu.memory_space<hbm>>
      %dma_wait3A_57 = arith.constant 0 : i32
      %dma_wait3A_58 = tpu.memref_slice %arg6[%add3A_42, %dma_wait3A_57] : memref<10240x128xf32, #tpu.memory_space<vmem_shared>> -> memref<128x128xf32, #tpu.memory_space<vmem_shared>>
      tpu.wait_dma2 semaphore(%run_scoped3A : memref<!tpu.dma_semaphore, #tpu.memory_space<semaphore_mem>>) src(%dma_wait3A_58 : memref<128x128xf32, #tpu.memory_space<vmem_shared>>) dst(%dma_wait3A_56 : memref<128x128xf32, #tpu.memory_space<hbm>>)
      tpu.yield
    }) : () -> ()
    %mul3A_43 = arith.constant 640 : i32
    %mul3A_44 = arith.muli %arg1, %mul3A_43 : i32
    %add3A_45 = arith.constant 384 : i32
    %add3A_46 = arith.addi %mul3A_44, %add3A_45 : i32
    "tpu.region"() ({
      %run_scoped3A = tpu.sem_alloc : memref<!tpu.dma_semaphore, #tpu.memory_space<semaphore_mem>>
      %dma_start3A = arith.constant 0 : i32
      %dma_start3A_51 = tpu.memref_slice %arg5[%arg0, %add3A_46, %dma_start3A] : memref<2x10240x128xf32, #tpu.memory_space<hbm>> -> memref<1x128x128xf32, #tpu.memory_space<hbm>>
      %dma_start3A_52 = tpu.memref_squeeze %dma_start3A_51 : memref<1x128x128xf32, #tpu.memory_space<hbm>> -> memref<128x128xf32, #tpu.memory_space<hbm>>
      %dma_start3A_53 = arith.constant 0 : i32
      %dma_start3A_54 = tpu.memref_slice %arg6[%add3A_46, %dma_start3A_53] : memref<10240x128xf32, #tpu.memory_space<vmem_shared>> -> memref<128x128xf32, #tpu.memory_space<vmem_shared>>
      tpu.enqueue_dma source(%dma_start3A_54 : memref<128x128xf32, #tpu.memory_space<vmem_shared>>) target(%dma_start3A_52 : memref<128x128xf32, #tpu.memory_space<hbm>>) target_semaphore(%run_scoped3A : memref<!tpu.dma_semaphore, #tpu.memory_space<semaphore_mem>>)
      %dma_wait3A = arith.constant 0 : i32
      %dma_wait3A_55 = tpu.memref_slice %arg5[%arg0, %add3A_46, %dma_wait3A] : memref<2x10240x128xf32, #tpu.memory_space<hbm>> -> memref<1x128x128xf32, #tpu.memory_space<hbm>>
      %dma_wait3A_56 = tpu.memref_squeeze %dma_wait3A_55 : memref<1x128x128xf32, #tpu.memory_space<hbm>> -> memref<128x128xf32, #tpu.memory_space<hbm>>
      %dma_wait3A_57 = arith.constant 0 : i32
      %dma_wait3A_58 = tpu.memref_slice %arg6[%add3A_46, %dma_wait3A_57] : memref<10240x128xf32, #tpu.memory_space<vmem_shared>> -> memref<128x128xf32, #tpu.memory_space<vmem_shared>>
      tpu.wait_dma2 semaphore(%run_scoped3A : memref<!tpu.dma_semaphore, #tpu.memory_space<semaphore_mem>>) src(%dma_wait3A_58 : memref<128x128xf32, #tpu.memory_space<vmem_shared>>) dst(%dma_wait3A_56 : memref<128x128xf32, #tpu.memory_space<hbm>>)
      tpu.yield
    }) : () -> ()
    %mul3A_47 = arith.constant 640 : i32
    %mul3A_48 = arith.muli %arg1, %mul3A_47 : i32
    %add3A_49 = arith.constant 512 : i32
    %add3A_50 = arith.addi %mul3A_48, %add3A_49 : i32
    "tpu.region"() ({
      %run_scoped3A = tpu.sem_alloc : memref<!tpu.dma_semaphore, #tpu.memory_space<semaphore_mem>>
      %dma_start3A = arith.constant 0 : i32
      %dma_start3A_51 = tpu.memref_slice %arg5[%arg0, %add3A_50, %dma_start3A] : memref<2x10240x128xf32, #tpu.memory_space<hbm>> -> memref<1x128x128xf32, #tpu.memory_space<hbm>>
      %dma_start3A_52 = tpu.memref_squeeze %dma_start3A_51 : memref<1x128x128xf32, #tpu.memory_space<hbm>> -> memref<128x128xf32, #tpu.memory_space<hbm>>
      %dma_start3A_53 = arith.constant 0 : i32
      %dma_start3A_54 = tpu.memref_slice %arg6[%add3A_50, %dma_start3A_53] : memref<10240x128xf32, #tpu.memory_space<vmem_shared>> -> memref<128x128xf32, #tpu.memory_space<vmem_shared>>
      tpu.enqueue_dma source(%dma_start3A_54 : memref<128x128xf32, #tpu.memory_space<vmem_shared>>) target(%dma_start3A_52 : memref<128x128xf32, #tpu.memory_space<hbm>>) target_semaphore(%run_scoped3A : memref<!tpu.dma_semaphore, #tpu.memory_space<semaphore_mem>>)
      %dma_wait3A = arith.constant 0 : i32
      %dma_wait3A_55 = tpu.memref_slice %arg5[%arg0, %add3A_50, %dma_wait3A] : memref<2x10240x128xf32, #tpu.memory_space<hbm>> -> memref<1x128x128xf32, #tpu.memory_space<hbm>>
      %dma_wait3A_56 = tpu.memref_squeeze %dma_wait3A_55 : memref<1x128x128xf32, #tpu.memory_space<hbm>> -> memref<128x128xf32, #tpu.memory_space<hbm>>
      %dma_wait3A_57 = arith.constant 0 : i32
      %dma_wait3A_58 = tpu.memref_slice %arg6[%add3A_50, %dma_wait3A_57] : memref<10240x128xf32, #tpu.memory_space<vmem_shared>> -> memref<128x128xf32, #tpu.memory_space<vmem_shared>>
      tpu.wait_dma2 semaphore(%run_scoped3A : memref<!tpu.dma_semaphore, #tpu.memory_space<semaphore_mem>>) src(%dma_wait3A_58 : memref<128x128xf32, #tpu.memory_space<vmem_shared>>) dst(%dma_wait3A_56 : memref<128x128xf32, #tpu.memory_space<hbm>>)
      tpu.yield
    }) : () -> ()
    return
  }
}

module attributes {stable_mosaic.version = 14 : i64} {
  func.func @_prep_body(%arg0: i32, %arg1: memref<1000x128xf32, #tpu.memory_space<vmem>>, %arg2: memref<128x128xf32, #tpu.memory_space<vmem>>, %arg3: memref<2x1000x16xf32, #tpu.memory_space<vmem>>, %arg4: memref<1000x128xf32, #tpu.memory_space<vmem>>, %arg5: memref<1000x128xf32, #tpu.memory_space<vmem>>) attributes {dimension_semantics = [#tpu.dimension_semantics<arbitrary>], iteration_bounds = array<i64: 10>, scalar_prefetch = 0 : i64, scratch_operands = 0 : i64, tpu.core_type = #tpu.core_type<tc>, window_params = [{transform_indices = @transform_0, window_bounds = array<i64: 1000, 128>}, {pipeline_mode = #tpu.pipeline_mode<synchronous>, transform_indices = @transform_1, window_bounds = array<i64: 128, 128>}, {transform_indices = @transform_2, window_bounds = array<i64: 2, 1000, 16>}, {transform_indices = @transform_3, window_bounds = array<i64: 1000, 128>}, {transform_indices = @transform_4, window_bounds = array<i64: 1000, 128>}]} {
    %get3A = arith.constant 0 : index
    %get3A_0 = arith.constant 0 : index
    %get3A_1 = vector.load %arg1[%get3A, %get3A_0] : memref<1000x128xf32, #tpu.memory_space<vmem>>, vector<1000x128xf32>
    %get3A_2 = arith.constant 0 : index
    %get3A_3 = arith.constant 0 : index
    %get3A_4 = vector.load %arg2[%get3A_2, %get3A_3] : memref<128x128xf32, #tpu.memory_space<vmem>>, vector<128x128xf32>
    %dot_general3A = arith.constant dense<0.000000e+00> : vector<1000x128xf32>
    %dot_general3A_5 = tpu.matmul %get3A_1, %get3A_4, %dot_general3A {dimension_numbers = #tpu.dot_dimension_numbers<[1], [0], [0], [1], [0, 0, 1, 1], [], []>, precision = #tpu.contract_precision<fp32>, transpose_lhs_hint = false} : vector<1000x128xf32>, vector<128x128xf32>, vector<1000x128xf32> -> vector<1000x128xf32>
    %get3A_6 = arith.constant 0 : index
    %get3A_7 = arith.constant 0 : index
    %get3A_8 = arith.constant 0 : index
    %get3A_9 = vector.load %arg3[%get3A_6, %get3A_7, %get3A_8] : memref<2x1000x16xf32, #tpu.memory_space<vmem>>, vector<2x1000x16xf32>
    %slice3A = vector.extract_strided_slice %get3A_9 {offsets = [0, 0, 0], sizes = [1, 1000, 1], strides = [1, 1, 1]} : vector<2x1000x16xf32> to vector<1x1000x1xf32>
    %squeeze3A = vector.shape_cast %slice3A : vector<1x1000x1xf32> to vector<1000xf32>
    %slice3A_10 = vector.extract_strided_slice %get3A_9 {offsets = [1, 0, 0], sizes = [1, 1000, 1], strides = [1, 1, 1]} : vector<2x1000x16xf32> to vector<1x1000x1xf32>
    %squeeze3A_11 = vector.shape_cast %slice3A_10 : vector<1x1000x1xf32> to vector<1000xf32>
    %add3A = arith.addf %squeeze3A, %squeeze3A_11 : vector<1000xf32>
    %add3A_12 = arith.constant 1.000000e+00 : f32
    %add3A_13 = vector.broadcast %add3A_12 : f32 to vector<1000xf32>
    %add3A_14 = arith.addf %add3A, %add3A_13 : vector<1000xf32>
    %rsqrt3A = math.rsqrt %add3A_14 : vector<1000xf32>
    %swap3A = arith.constant 0 : index
    %swap3A_15 = arith.constant 0 : index
    %swap3A_16 = vector.load %arg4[%swap3A, %swap3A_15] : memref<1000x128xf32, #tpu.memory_space<vmem>>, vector<1000x128xf32>
    tpu.vector_store %arg4[%swap3A, %swap3A_15], %dot_general3A_5 {strides = array<i32>} : memref<1000x128xf32, #tpu.memory_space<vmem>>, vector<1000x128xf32>,
    %broadcast_in_dim3A = vector.shape_cast %rsqrt3A : vector<1000xf32> to vector<1000x1xf32>
    %mul3A = vector.broadcast %broadcast_in_dim3A : vector<1000x1xf32> to vector<1000x128xf32>
    %mul3A_17 = arith.mulf %dot_general3A_5, %mul3A : vector<1000x128xf32>
    %swap3A_18 = arith.constant 0 : index
    %swap3A_19 = arith.constant 0 : index
    %swap3A_20 = vector.load %arg5[%swap3A_18, %swap3A_19] : memref<1000x128xf32, #tpu.memory_space<vmem>>, vector<1000x128xf32>
    tpu.vector_store %arg5[%swap3A_18, %swap3A_19], %mul3A_17 {strides = array<i32>} : memref<1000x128xf32, #tpu.memory_space<vmem>>, vector<1000x128xf32>,
    return
  }
  func.func @transform_0(%arg0: i32) -> (i32, i32) {
    %c0_i32 = arith.constant 0 : i32
    %c0_i32_0 = arith.constant 0 : i32
    return %arg0, %c0_i32 : i32, i32
  }
  func.func @transform_1(%arg0: i32) -> (i32, i32) {
    %c0_i32 = arith.constant 0 : i32
    %c0_i32_0 = arith.constant 0 : i32
    %c0_i32_1 = arith.constant 0 : i32
    return %c0_i32, %c0_i32_0 : i32, i32
  }
  func.func @transform_2(%arg0: i32) -> (i32, i32, i32) {
    %c0_i32 = arith.constant 0 : i32
    %c0_i32_0 = arith.constant 0 : i32
    %c0_i32_1 = arith.constant 0 : i32
    return %c0_i32, %arg0, %c0_i32_0 : i32, i32, i32
  }
  func.func @transform_3(%arg0: i32) -> (i32, i32) {
    %c0_i32 = arith.constant 0 : i32
    %c0_i32_0 = arith.constant 0 : i32
    return %arg0, %c0_i32 : i32, i32
  }
  func.func @transform_4(%arg0: i32) -> (i32, i32) {
    %c0_i32 = arith.constant 0 : i32
    %c0_i32_0 = arith.constant 0 : i32
    return %arg0, %c0_i32 : i32, i32
  }
}

module attributes {stable_mosaic.version = 14 : i64} {
  func.func @_mid_body(%arg0: i32, %arg1: memref<2x1000x128xf32, #tpu.memory_space<vmem>>, %arg2: memref<1000x128xf32, #tpu.memory_space<vmem>>, %arg3: memref<2x1000x16xf32, #tpu.memory_space<vmem>>, %arg4: memref<1x128xf32, #tpu.memory_space<vmem>>, %arg5: memref<128x128xf32, #tpu.memory_space<vmem>>, %arg6: memref<1000x128xf32, #tpu.memory_space<vmem>>, %arg7: memref<1000x128xf32, #tpu.memory_space<vmem>>) attributes {dimension_semantics = [#tpu.dimension_semantics<arbitrary>], iteration_bounds = array<i64: 10>, scalar_prefetch = 0 : i64, scratch_operands = 0 : i64, tpu.core_type = #tpu.core_type<tc>, window_params = [{transform_indices = @transform_0, window_bounds = array<i64: 2, 1000, 128>}, {transform_indices = @transform_1, window_bounds = array<i64: 1000, 128>}, {transform_indices = @transform_2, window_bounds = array<i64: 2, 1000, 16>}, {pipeline_mode = #tpu.pipeline_mode<synchronous>, transform_indices = @transform_3, window_bounds = array<i64: 1, 128>}, {pipeline_mode = #tpu.pipeline_mode<synchronous>, transform_indices = @transform_4, window_bounds = array<i64: 128, 128>}, {transform_indices = @transform_5, window_bounds = array<i64: 1000, 128>}, {transform_indices = @transform_6, window_bounds = array<i64: 1000, 128>}]} {
    %get3A = arith.constant 0 : index
    %get3A_0 = arith.constant 0 : index
    %get3A_1 = arith.constant 0 : index
    %get3A_2 = vector.load %arg3[%get3A, %get3A_0, %get3A_1] : memref<2x1000x16xf32, #tpu.memory_space<vmem>>, vector<2x1000x16xf32>
    %slice3A = vector.extract_strided_slice %get3A_2 {offsets = [0, 0, 0], sizes = [1, 1000, 1], strides = [1, 1, 1]} : vector<2x1000x16xf32> to vector<1x1000x1xf32>
    %squeeze3A = vector.shape_cast %slice3A : vector<1x1000x1xf32> to vector<1000xf32>
    %slice3A_3 = vector.extract_strided_slice %get3A_2 {offsets = [1, 0, 0], sizes = [1, 1000, 1], strides = [1, 1, 1]} : vector<2x1000x16xf32> to vector<1x1000x1xf32>
    %squeeze3A_4 = vector.shape_cast %slice3A_3 : vector<1x1000x1xf32> to vector<1000xf32>
    %add3A = arith.addf %squeeze3A, %squeeze3A_4 : vector<1000xf32>
    %add3A_5 = arith.constant 1.000000e+00 : f32
    %add3A_6 = vector.broadcast %add3A_5 : f32 to vector<1000xf32>
    %add3A_7 = arith.addf %add3A, %add3A_6 : vector<1000xf32>
    %rsqrt3A = math.rsqrt %add3A_7 : vector<1000xf32>
    %broadcast_in_dim3A = vector.shape_cast %rsqrt3A : vector<1000xf32> to vector<1000x1xf32>
    %get3A_8 = arith.constant 0 : index
    %get3A_9 = arith.constant 0 : index
    %get3A_10 = arith.constant 0 : index
    %get3A_11 = vector.load %arg1[%get3A_8, %get3A_9, %get3A_10] : memref<2x1000x128xf32, #tpu.memory_space<vmem>>, vector<1x1000x128xf32>
    %get3A_12 = vector.shape_cast %get3A_11 : vector<1x1000x128xf32> to vector<1000x128xf32>
    %get3A_13 = arith.constant 1 : index
    %get3A_14 = arith.constant 0 : index
    %get3A_15 = arith.constant 0 : index
    %get3A_16 = vector.load %arg1[%get3A_13, %get3A_14, %get3A_15] : memref<2x1000x128xf32, #tpu.memory_space<vmem>>, vector<1x1000x128xf32>
    %get3A_17 = vector.shape_cast %get3A_16 : vector<1x1000x128xf32> to vector<1000x128xf32>
    %add3A_18 = arith.addf %get3A_12, %get3A_17 : vector<1000x128xf32>
    %mul3A = vector.broadcast %broadcast_in_dim3A : vector<1000x1xf32> to vector<1000x128xf32>
    %mul3A_19 = arith.mulf %mul3A, %add3A_18 : vector<1000x128xf32>
    %mul3A_20 = arith.mulf %broadcast_in_dim3A, %broadcast_in_dim3A : vector<1000x1xf32>
    %get3A_21 = arith.constant 0 : index
    %get3A_22 = arith.constant 0 : index
    %get3A_23 = vector.load %arg2[%get3A_21, %get3A_22] : memref<1000x128xf32, #tpu.memory_space<vmem>>, vector<1000x128xf32>
    %mul3A_24 = vector.broadcast %mul3A_20 : vector<1000x1xf32> to vector<1000x128xf32>
    %mul3A_25 = arith.mulf %mul3A_24, %get3A_23 : vector<1000x128xf32>
    %add3A_26 = arith.addf %mul3A_19, %mul3A_25 : vector<1000x128xf32>
    %get3A_27 = arith.constant 0 : index
    %get3A_28 = arith.constant 0 : index
    %get3A_29 = vector.load %arg4[%get3A_27, %get3A_28] : memref<1x128xf32, #tpu.memory_space<vmem>>, vector<1x128xf32>
    %add3A_30 = vector.broadcast %get3A_29 : vector<1x128xf32> to vector<1000x128xf32>
    %add3A_31 = arith.addf %add3A_26, %add3A_30 : vector<1000x128xf32>
    %max3A = arith.constant 0.000000e+00 : f32
    %max3A_32 = vector.broadcast %max3A : f32 to vector<1000x128xf32>
    %max3A_33 = arith.maximumf %add3A_31, %max3A_32 : vector<1000x128xf32>
    %get3A_34 = arith.constant 0 : index
    %get3A_35 = arith.constant 0 : index
    %get3A_36 = vector.load %arg5[%get3A_34, %get3A_35] : memref<128x128xf32, #tpu.memory_space<vmem>>, vector<128x128xf32>
    %dot_general3A = arith.constant dense<0.000000e+00> : vector<1000x128xf32>
    %dot_general3A_37 = tpu.matmul %max3A_33, %get3A_36, %dot_general3A {dimension_numbers = #tpu.dot_dimension_numbers<[1], [0], [0], [1], [0, 0, 1, 1], [], []>, precision = #tpu.contract_precision<fp32>, transpose_lhs_hint = false} : vector<1000x128xf32>, vector<128x128xf32>, vector<1000x128xf32> -> vector<1000x128xf32>
    %swap3A = arith.constant 0 : index
    %swap3A_38 = arith.constant 0 : index
    %swap3A_39 = vector.load %arg6[%swap3A, %swap3A_38] : memref<1000x128xf32, #tpu.memory_space<vmem>>, vector<1000x128xf32>
    tpu.vector_store %arg6[%swap3A, %swap3A_38], %dot_general3A_37 {strides = array<i32>} : memref<1000x128xf32, #tpu.memory_space<vmem>>, vector<1000x128xf32>,
    %mul3A_40 = vector.broadcast %broadcast_in_dim3A : vector<1000x1xf32> to vector<1000x128xf32>
    %mul3A_41 = arith.mulf %dot_general3A_37, %mul3A_40 : vector<1000x128xf32>
    %swap3A_42 = arith.constant 0 : index
    %swap3A_43 = arith.constant 0 : index
    %swap3A_44 = vector.load %arg7[%swap3A_42, %swap3A_43] : memref<1000x128xf32, #tpu.memory_space<vmem>>, vector<1000x128xf32>
    tpu.vector_store %arg7[%swap3A_42, %swap3A_43], %mul3A_41 {strides = array<i32>} : memref<1000x128xf32, #tpu.memory_space<vmem>>, vector<1000x128xf32>,
    return
  }
  func.func @transform_0(%arg0: i32) -> (i32, i32, i32) {
    %c0_i32 = arith.constant 0 : i32
    %c0_i32_0 = arith.constant 0 : i32
    %c0_i32_1 = arith.constant 0 : i32
    return %c0_i32, %arg0, %c0_i32_0 : i32, i32, i32
  }
  func.func @transform_1(%arg0: i32) -> (i32, i32) {
    %c0_i32 = arith.constant 0 : i32
    %c0_i32_0 = arith.constant 0 : i32
    return %arg0, %c0_i32 : i32, i32
  }
  func.func @transform_2(%arg0: i32) -> (i32, i32, i32) {
    %c0_i32 = arith.constant 0 : i32
    %c0_i32_0 = arith.constant 0 : i32
    %c0_i32_1 = arith.constant 0 : i32
    return %c0_i32, %arg0, %c0_i32_0 : i32, i32, i32
  }
  func.func @transform_3(%arg0: i32) -> (i32, i32) {
    %c0_i32 = arith.constant 0 : i32
    %c0_i32_0 = arith.constant 0 : i32
    %c0_i32_1 = arith.constant 0 : i32
    return %c0_i32, %c0_i32_0 : i32, i32
  }
  func.func @transform_4(%arg0: i32) -> (i32, i32) {
    %c0_i32 = arith.constant 0 : i32
    %c0_i32_0 = arith.constant 0 : i32
    %c0_i32_1 = arith.constant 0 : i32
    return %c0_i32, %c0_i32_0 : i32, i32
  }
  func.func @transform_5(%arg0: i32) -> (i32, i32) {
    %c0_i32 = arith.constant 0 : i32
    %c0_i32_0 = arith.constant 0 : i32
    return %arg0, %c0_i32 : i32, i32
  }
  func.func @transform_6(%arg0: i32) -> (i32, i32) {
    %c0_i32 = arith.constant 0 : i32
    %c0_i32_0 = arith.constant 0 : i32
    return %arg0, %c0_i32 : i32, i32
  }
}

module attributes {stable_mosaic.version = 14 : i64} {
  func.func @_fin_body(%arg0: i32, %arg1: memref<2x1000x128xf32, #tpu.memory_space<vmem>>, %arg2: memref<1000x128xf32, #tpu.memory_space<vmem>>, %arg3: memref<2x1000x16xf32, #tpu.memory_space<vmem>>, %arg4: memref<1x128xf32, #tpu.memory_space<vmem>>, %arg5: memref<128x64xf32, #tpu.memory_space<vmem>>, %arg6: memref<1x64xf32, #tpu.memory_space<vmem>>, %arg7: memref<1x64xf32, #tpu.memory_space<vmem>>, %arg8: memref<1x128xf32, #tpu.memory_space<vmem>>) attributes {dimension_semantics = [#tpu.dimension_semantics<arbitrary>], iteration_bounds = array<i64: 10>, scalar_prefetch = 0 : i64, scratch_operands = 1 : i64, tpu.core_type = #tpu.core_type<tc>, window_params = [{transform_indices = @transform_0, window_bounds = array<i64: 2, 1000, 128>}, {transform_indices = @transform_1, window_bounds = array<i64: 1000, 128>}, {transform_indices = @transform_2, window_bounds = array<i64: 2, 1000, 16>}, {pipeline_mode = #tpu.pipeline_mode<synchronous>, transform_indices = @transform_3, window_bounds = array<i64: 1, 128>}, {pipeline_mode = #tpu.pipeline_mode<synchronous>, transform_indices = @transform_4, window_bounds = array<i64: 128, 64>}, {pipeline_mode = #tpu.pipeline_mode<synchronous>, transform_indices = @transform_5, window_bounds = array<i64: 1, 64>}, {pipeline_mode = #tpu.pipeline_mode<synchronous>, transform_indices = @transform_6, window_bounds = array<i64: 1, 64>}]} {
    %get3A = arith.constant 0 : index
    %get3A_0 = arith.constant 0 : index
    %get3A_1 = arith.constant 0 : index
    %get3A_2 = vector.load %arg3[%get3A, %get3A_0, %get3A_1] : memref<2x1000x16xf32, #tpu.memory_space<vmem>>, vector<2x1000x16xf32>
    %slice3A = vector.extract_strided_slice %get3A_2 {offsets = [0, 0, 0], sizes = [1, 1000, 1], strides = [1, 1, 1]} : vector<2x1000x16xf32> to vector<1x1000x1xf32>
    %squeeze3A = vector.shape_cast %slice3A : vector<1x1000x1xf32> to vector<1000xf32>
    %slice3A_3 = vector.extract_strided_slice %get3A_2 {offsets = [1, 0, 0], sizes = [1, 1000, 1], strides = [1, 1, 1]} : vector<2x1000x16xf32> to vector<1x1000x1xf32>
    %squeeze3A_4 = vector.shape_cast %slice3A_3 : vector<1x1000x1xf32> to vector<1000xf32>
    %add3A = arith.addf %squeeze3A, %squeeze3A_4 : vector<1000xf32>
    %add3A_5 = arith.constant 1.000000e+00 : f32
    %add3A_6 = vector.broadcast %add3A_5 : f32 to vector<1000xf32>
    %add3A_7 = arith.addf %add3A, %add3A_6 : vector<1000xf32>
    %rsqrt3A = math.rsqrt %add3A_7 : vector<1000xf32>
    %broadcast_in_dim3A = vector.shape_cast %rsqrt3A : vector<1000xf32> to vector<1000x1xf32>
    %get3A_8 = arith.constant 0 : index
    %get3A_9 = arith.constant 0 : index
    %get3A_10 = arith.constant 0 : index
    %get3A_11 = vector.load %arg1[%get3A_8, %get3A_9, %get3A_10] : memref<2x1000x128xf32, #tpu.memory_space<vmem>>, vector<1x1000x128xf32>
    %get3A_12 = vector.shape_cast %get3A_11 : vector<1x1000x128xf32> to vector<1000x128xf32>
    %get3A_13 = arith.constant 1 : index
    %get3A_14 = arith.constant 0 : index
    %get3A_15 = arith.constant 0 : index
    %get3A_16 = vector.load %arg1[%get3A_13, %get3A_14, %get3A_15] : memref<2x1000x128xf32, #tpu.memory_space<vmem>>, vector<1x1000x128xf32>
    %get3A_17 = vector.shape_cast %get3A_16 : vector<1x1000x128xf32> to vector<1000x128xf32>
    %add3A_18 = arith.addf %get3A_12, %get3A_17 : vector<1000x128xf32>
    %mul3A = vector.broadcast %broadcast_in_dim3A : vector<1000x1xf32> to vector<1000x128xf32>
    %mul3A_19 = arith.mulf %mul3A, %add3A_18 : vector<1000x128xf32>
    %mul3A_20 = arith.mulf %broadcast_in_dim3A, %broadcast_in_dim3A : vector<1000x1xf32>
    %get3A_21 = arith.constant 0 : index
    %get3A_22 = arith.constant 0 : index
    %get3A_23 = vector.load %arg2[%get3A_21, %get3A_22] : memref<1000x128xf32, #tpu.memory_space<vmem>>, vector<1000x128xf32>
    %mul3A_24 = vector.broadcast %mul3A_20 : vector<1000x1xf32> to vector<1000x128xf32>
    %mul3A_25 = arith.mulf %mul3A_24, %get3A_23 : vector<1000x128xf32>
    %add3A_26 = arith.addf %mul3A_19, %mul3A_25 : vector<1000x128xf32>
    %get3A_27 = arith.constant 0 : index
    %get3A_28 = arith.constant 0 : index
    %get3A_29 = vector.load %arg4[%get3A_27, %get3A_28] : memref<1x128xf32, #tpu.memory_space<vmem>>, vector<1x128xf32>
    %add3A_30 = vector.broadcast %get3A_29 : vector<1x128xf32> to vector<1000x128xf32>
    %add3A_31 = arith.addf %add3A_26, %add3A_30 : vector<1000x128xf32>
    %max3A = arith.constant 0.000000e+00 : f32
    %max3A_32 = vector.broadcast %max3A : f32 to vector<1000x128xf32>
    %max3A_33 = arith.maximumf %add3A_31, %max3A_32 : vector<1000x128xf32>
    %reduce_sum3A = arith.constant dense<0.000000e+00> : vector<128xf32>
    %reduce_sum3A_34 = vector.multi_reduction <add>, %max3A_33, %reduce_sum3A [0] : vector<1000x128xf32> to vector<128xf32>
    %broadcast_in_dim3A_35 = vector.shape_cast %reduce_sum3A_34 : vector<128xf32> to vector<1x128xf32>
    %eq3A = arith.constant 0 : i32
    %eq3A_36 = arith.cmpi eq, %arg0, %eq3A : i32
    %convert_element_type3A = arith.extui %eq3A_36 : i1 to i32
    %cond3A = arith.constant 0 : i32
    %cond3A_37 = arith.cmpi ne, %convert_element_type3A, %cond3A : i32
    scf.if %cond3A_37 {
      %swap3A = arith.constant 0 : index
      %swap3A_47 = arith.constant 0 : index
      %swap3A_48 = vector.load %arg8[%swap3A, %swap3A_47] : memref<1x128xf32, #tpu.memory_space<vmem>>, vector<1x128xf32>
      tpu.vector_store %arg8[%swap3A, %swap3A_47], %broadcast_in_dim3A_35 {strides = array<i32>} : memref<1x128xf32, #tpu.memory_space<vmem>>, vector<1x128xf32>,
    } else {
    }
    %gt3A = arith.constant 0 : i32
    %gt3A_38 = arith.cmpi sgt, %arg0, %gt3A : i32
    %convert_element_type3A_39 = arith.extui %gt3A_38 : i1 to i32
    %cond3A_40 = arith.constant 0 : i32
    %cond3A_41 = arith.cmpi ne, %convert_element_type3A_39, %cond3A_40 : i32
    scf.if %cond3A_41 {
      %get3A_47 = arith.constant 0 : index
      %get3A_48 = arith.constant 0 : index
      %get3A_49 = vector.load %arg8[%get3A_47, %get3A_48] : memref<1x128xf32, #tpu.memory_space<vmem>>, vector<1x128xf32>
      %add3A_50 = arith.addf %get3A_49, %broadcast_in_dim3A_35 : vector<1x128xf32>
      %swap3A = arith.constant 0 : index
      %swap3A_51 = arith.constant 0 : index
      %swap3A_52 = vector.load %arg8[%swap3A, %swap3A_51] : memref<1x128xf32, #tpu.memory_space<vmem>>, vector<1x128xf32>
      tpu.vector_store %arg8[%swap3A, %swap3A_51], %add3A_50 {strides = array<i32>} : memref<1x128xf32, #tpu.memory_space<vmem>>, vector<1x128xf32>,
    } else {
    }
    %eq3A_42 = arith.constant 9 : i32
    %eq3A_43 = arith.cmpi eq, %arg0, %eq3A_42 : i32
    %convert_element_type3A_44 = arith.extui %eq3A_43 : i1 to i32
    %cond3A_45 = arith.constant 0 : i32
    %cond3A_46 = arith.cmpi ne, %convert_element_type3A_44, %cond3A_45 : i32
    scf.if %cond3A_46 {
      %get3A_47 = arith.constant 0 : index
      %get3A_48 = arith.constant 0 : index
      %get3A_49 = vector.load %arg8[%get3A_47, %get3A_48] : memref<1x128xf32, #tpu.memory_space<vmem>>, vector<1x128xf32>
      %mul3A_50 = arith.constant 9.99999974E-5 : f32
      %mul3A_51 = vector.broadcast %mul3A_50 : f32 to vector<1x128xf32>
      %mul3A_52 = arith.mulf %get3A_49, %mul3A_51 : vector<1x128xf32>
      %get3A_53 = arith.constant 0 : index
      %get3A_54 = arith.constant 0 : index
      %get3A_55 = vector.load %arg5[%get3A_53, %get3A_54] : memref<128x64xf32, #tpu.memory_space<vmem>>, vector<128x64xf32>
      %dot_general3A = arith.constant dense<0.000000e+00> : vector<1x64xf32>
      %dot_general3A_56 = tpu.matmul %mul3A_52, %get3A_55, %dot_general3A {dimension_numbers = #tpu.dot_dimension_numbers<[1], [0], [0], [1], [0, 0, 1, 1], [], []>, precision = #tpu.contract_precision<fp32>, transpose_lhs_hint = false} : vector<1x128xf32>, vector<128x64xf32>, vector<1x64xf32> -> vector<1x64xf32>
      %get3A_57 = arith.constant 0 : index
      %get3A_58 = arith.constant 0 : index
      %get3A_59 = vector.load %arg6[%get3A_57, %get3A_58] : memref<1x64xf32, #tpu.memory_space<vmem>>, vector<1x64xf32>
      %add3A_60 = arith.addf %dot_general3A_56, %get3A_59 : vector<1x64xf32>
      %swap3A = arith.constant 0 : index
      %swap3A_61 = arith.constant 0 : index
      %swap3A_62 = vector.load %arg7[%swap3A, %swap3A_61] : memref<1x64xf32, #tpu.memory_space<vmem>>, vector<1x64xf32>
      tpu.vector_store %arg7[%swap3A, %swap3A_61], %add3A_60 {strides = array<i32>} : memref<1x64xf32, #tpu.memory_space<vmem>>, vector<1x64xf32>,
    } else {
    }
    return
  }
  func.func @transform_0(%arg0: i32) -> (i32, i32, i32) {
    %c0_i32 = arith.constant 0 : i32
    %c0_i32_0 = arith.constant 0 : i32
    %c0_i32_1 = arith.constant 0 : i32
    return %c0_i32, %arg0, %c0_i32_0 : i32, i32, i32
  }
  func.func @transform_1(%arg0: i32) -> (i32, i32) {
    %c0_i32 = arith.constant 0 : i32
    %c0_i32_0 = arith.constant 0 : i32
    return %arg0, %c0_i32 : i32, i32
  }
  func.func @transform_2(%arg0: i32) -> (i32, i32, i32) {
    %c0_i32 = arith.constant 0 : i32
    %c0_i32_0 = arith.constant 0 : i32
    %c0_i32_1 = arith.constant 0 : i32
    return %c0_i32, %arg0, %c0_i32_0 : i32, i32, i32
  }
  func.func @transform_3(%arg0: i32) -> (i32, i32) {
    %c0_i32 = arith.constant 0 : i32
    %c0_i32_0 = arith.constant 0 : i32
    %c0_i32_1 = arith.constant 0 : i32
    return %c0_i32, %c0_i32_0 : i32, i32
  }
  func.func @transform_4(%arg0: i32) -> (i32, i32) {
    %c0_i32 = arith.constant 0 : i32
    %c0_i32_0 = arith.constant 0 : i32
    %c0_i32_1 = arith.constant 0 : i32
    return %c0_i32, %c0_i32_0 : i32, i32
  }
  func.func @transform_5(%arg0: i32) -> (i32, i32) {
    %c0_i32 = arith.constant 0 : i32
    %c0_i32_0 = arith.constant 0 : i32
    %c0_i32_1 = arith.constant 0 : i32
    return %c0_i32, %c0_i32_0 : i32, i32
  }
  func.func @transform_6(%arg0: i32) -> (i32, i32) {
    %c0_i32 = arith.constant 0 : i32
    %c0_i32_0 = arith.constant 0 : i32
    %c0_i32_1 = arith.constant 0 : i32
    return %c0_i32, %c0_i32_0 : i32, i32
  }
}

</mosaic_0001>

<sc_bundles>
// kernel: kernel.11.cloned.1.call-start
scs
__scs_entry_jumppad:
0x0: {  	(pc) =	sbr.rel $0x88, $3  }
0x1: {  	(tag) =	ssettag $0x0;
	lr =	simm.s32 $0x1  }
0x2: {  	[smem:$0x3F99] =	sst lr;
	_ =	strace $0xD0000000  }
0x3: {  	_ = 	snop  }
0x4: {  	_ = 	snop  }
0x5: {  	_ = 	snop  }
0x6: {  	_ = 	snop  }
0x7: {  	_ = 	snop  }
__scs_overlays_trampoline_lowered:
0x8: {  	[smem:$0x3FA8] =	sst s0  }
0x9: {  	[smem:$0x3FA9] =	sst s1  }
0xa: {  	[smem:$0x3FAA] =	sst s2  }
0xb: {  	[smem:$0x3FAB] =	sst s3  }
0xc: {  	[smem:$0x3FAC] =	sst s4  }
0xd: {  	[smem:$0x3FAD] =	sst s5  }
0xe: {  	[smem:$0x3FAE] =	sst s6  }
0xf: {  	[smem:$0x3FAF] =	sst s7  }
0x10: {  	[smem:$0x3FB0] =	sst s8  }
0x11: {  	[smem:$0x3FB1] =	sst s9;
	s0 =	simm.s32 @!p0 $0x0  }
0x12: {  	s1 =	sld [smem:$0x3F97];
	s0 =	simm.s32 @p0 $0x1  }
0x13: {  	[smem:$0x3FB2] =	sst s0;
	s0 =	simm.s32 @!p1 $0x0  }
0x14: {  	s2 =	sld [smem:$0x3F96];
	s0 =	simm.s32 @p1 $0x1  }
0x15: {  	[smem:$0x3FB3] =	sst s0;
	s0 =	simm.s32 @!p2 $0x0  }
0x16: {  	s3 =	sld [smem:$0x3FDB];
	s0 =	simm.s32 @p2 $0x1  }
0x17: {  	s4 =	simm.s32 $0x1BF5;
	[smem:$0x3FB5] =	sst s0  }
0x18: {  	s0 =	sld [smem:$0x3F98];
	_ =	swait.ge [sflag:s4], $0x0  }
0x19: {  	s7 =	sld [smem:$0x3F99]  }
0x1a: {  	s8 =	sadd.s32 $0xFFFFE003, lr  }
0x1b: {  	s9 =	sadd.s32 $0xFFFFFEF7, lr;
	s5 =	simm.s32 $0xFFFFFFFF;
	p2 =	slt.u32 s8, $0xFFFFF086  }
0x1c: {  	p1 =	slt.u32 s9, $0xF7A;
	s5 =	simm.s32 @!p2 $0x0  }
0x1d: {  	s5 =	simm.s32 @p1 $0x1;
	p0 =	seq.s32 s7, s2  }
0x1e: {  	s7 =	smul.u32 @!p0 $0xF7A, s2;
	p2 =	seq.s32 @!p0 s5, $0x0  }
0x1f: {  	s9 =	smul.u32 $0xF7A, s1;
	s8 =	simm.s32 @!p0 $0x1BF5;
	p2 =	por !p2, p0  }
0x20: {  	[sflag:s8] =	ssyncset.s32 @!p0 $0xFFFFF086;
	s6 =	sadd.s32 @!p0 s3, s7;
	s7 =	simm.s32 @!p0 $0x108  }
0x21: {  	s3 =	sadd.s32 s3, s9;
	s6 =	sadd.s32 @!p0 $0x88, s6;
	s7 =	simm.s32 @p2 $0x1082  }
0x22: {  	[simem:s7], [sflag:s8] =	dma.local @!p0 [hbm:s6], $0xF7A  }
0x23: {  	s9 =	sor.u32 $0xD0000000, s2;
	s6 =	simm.s32 $0x108;
	_ =	swait.ge @!p0 [sflag:s8], $0x0  }
0x24: {  	s3 =	sadd.s32 $0x88, s3;
	s6 =	simm.s32 @!p1 $0x1082;
	[sflag:s4] =	ssyncset.s32 $0xFFFFF086  }
0x25: {  	[simem:s6], [sflag:s4] =	dma.local [hbm:s3], $0xF7A  }
0x26: {  	[smem:$0x3F99] =	sst s1;
	(tag) =	ssettag s2;
	_ =	strace s9  }
0x27: {  	s1 =	sld [smem:$0x3FA9]  }
0x28: {  	s2 =	sld [smem:$0x3FAA]  }
0x29: {  	s4 =	sld [smem:$0x3FAC]  }
0x2a: {  	p0 =	seq.s32 s5, $0x0;
	s5 =	sld [smem:$0x3FAD]  }
0x2b: {  	s6 =	sld [smem:$0x3FAE]  }
0x2c: {  	s7 =	sld [smem:$0x3FAF]  }
0x2d: {  	s3 =	simm.s32 $0x108;
	s8 =	sld [smem:$0x3FB0]  }
0x2e: {  	s3 =	simm.s32 @!p0 $0x1082;
	s9 =	sld [smem:$0x3FB1]  }
0x2f: {  	lr =	sadd.s32 s0, s3;
	s0 =	sld [smem:$0x3FA8]  }
0x30: {  	s3 =	sld [smem:$0x3FAB]  }
0x31: {  	[smem:$0x3FB4] =	sst s10  }
0x32: {  	s10 =	sld [smem:$0x3FB2];
	_ =	sdelay $0x3  }
0x33: {  	p0 =	seq.s32 s10, $0x1;
	s10 =	sld [smem:$0x3FB4];
	_ =	sdelay $0x3  }
0x34: {  	[smem:$0x3FB4] =	sst s10  }
0x35: {  	s10 =	sld [smem:$0x3FB3];
	_ =	sdelay $0x3  }
0x36: {  	p1 =	seq.s32 s10, $0x1;
	s10 =	sld [smem:$0x3FB4];
	_ =	sdelay $0x3  }
0x37: {  	[smem:$0x3FB4] =	sst s10  }
0x38: {  	s10 =	sld [smem:$0x3FB5]  }
0x39: {  	_ = 	snop;
	(pc) =	sbr.ind lr, $3  }
0x3a: {  	_ = 	snop  }
0x3b: {  	_ = 	snop  }
0x3c: {  	p2 =	seq.s32 s10, $0x1;
	s10 =	sld [smem:$0x3FB4]  }
0x3d: {  	_ =	shalt  }
0x3e: {  	_ =	shalt  }
0x3f: {  	_ =	shalt  }
0x40: {  	_ =	shalt  }
0x41: {  	_ =	shalt  }
0x42: {  	_ =	shalt  }
0x43: {  	_ =	shalt  }
0x44: {  	_ =	shalt  }
0x45: {  	_ =	shalt  }
0x46: {  	_ =	shalt  }
0x47: {  	_ =	shalt  }
0x48: {  	_ =	shalt  }
0x49: {  	_ =	shalt  }
0x4a: {  	_ =	shalt  }
0x4b: {  	_ =	shalt  }
0x4c: {  	_ =	shalt  }
0x4d: {  	_ =	shalt  }
0x4e: {  	_ =	shalt  }
0x4f: {  	_ =	shalt  }
0x50: {  	_ =	shalt  }
0x51: {  	_ =	shalt  }
0x52: {  	_ =	shalt  }
0x53: {  	_ =	shalt  }
0x54: {  	_ =	shalt  }
0x55: {  	_ =	shalt  }
0x56: {  	_ =	shalt  }
0x57: {  	_ =	shalt  }
0x58: {  	_ =	shalt  }
0x59: {  	_ =	shalt  }
0x5a: {  	_ =	shalt  }
0x5b: {  	_ =	shalt  }
0x5c: {  	_ =	shalt  }
0x5d: {  	_ =	shalt  }
0x5e: {  	_ =	shalt  }
0x5f: {  	_ =	shalt  }
0x60: {  	_ =	shalt  }
0x61: {  	_ =	shalt  }
0x62: {  	_ =	shalt  }
0x63: {  	_ =	shalt  }
0x64: {  	_ =	shalt  }
0x65: {  	_ =	shalt  }
0x66: {  	_ =	shalt  }
0x67: {  	_ =	shalt  }
0x68: {  	_ =	shalt  }
0x69: {  	_ =	shalt  }
0x6a: {  	_ =	shalt  }
0x6b: {  	_ =	shalt  }
0x6c: {  	_ =	shalt  }
0x6d: {  	_ =	shalt  }
0x6e: {  	_ =	shalt  }
0x6f: {  	_ =	shalt  }
0x70: {  	_ =	shalt  }
0x71: {  	_ =	shalt  }
0x72: {  	_ =	shalt  }
0x73: {  	_ =	shalt  }
0x74: {  	_ =	shalt  }
0x75: {  	_ =	shalt  }
0x76: {  	_ =	shalt  }
0x77: {  	_ =	shalt  }
0x78: {  	_ =	shalt  }
0x79: {  	_ =	shalt  }
0x7a: {  	_ =	shalt  }
0x7b: {  	_ =	shalt  }
0x7c: {  	_ =	shalt  }
0x7d: {  	_ =	shalt  }
0x7e: {  	_ =	shalt  }
0x7f: {  	_ =	shalt  }
0x80: {  	_ =	shalt  }
0x81: {  	_ =	shalt  }
0x82: {  	_ =	shalt  }
0x83: {  	_ =	shalt  }
0x84: {  	_ =	shalt  }
0x85: {  	_ =	shalt  }
0x86: {  	_ =	shalt  }
0x87: {  	_ =	shalt  }
.Lfunc_end0:
.L_simem_size_0:
called_computation.1_lowered:
.L_overlay_start_0:
0x88: {  	s2 =	sld [smem:$0x3FD9]  }
0x89: {  	s3 =	sld [smem:$0x3FFE];
	_ =	sdelay $0x1  }
0x8a: {  	s1 =	srdreg.scid  }
0x8b: {  	s0 =	sand.u32 $0x1, s1  }
0x8c: {  	s16 =	sshll.u32 s0, $0xA;
	s2 =	sadd.s32 s3, s2  }
0x8d: {  	s2 =	sadd.s32 s2, s16  }
0x8e: {  	[smem:$0x3FC0] =	sst s2  }
0x8f: {  	_ = 	snop  }
0x90: {  	(tm) =	ssettm $0x1  }
0x91: {  	s17 =	sld [smem:$0x3FFB];
	_ =	sdelay $0x3  }
0x92: {  	_ =	strace s17  }
0x93: {  	s2 =	sld [smem:$0x3FFC];
	_ =	sdelay $0x3  }
0x94: {  	_ =	strace s2  }
0x95: {  	s2 =	sld [smem:$0x3FFD];
	_ =	sdelay $0x3  }
0x96: {  	_ =	strace s2  }
0x97: {  	_ =	strace $0x8FFFFFFF  }
0x98: {  	s18 =	sld [smem:$0x3FDB];
	_ =	sdelay $0x1  }
0x99: {  	s19 =	simm.s32 $_scs_section_size  }
0x9a: {  	s4 =	simm.s32 $_size__tile_overlayer_lowered;
	s5 =	simm.s32 $_tile_overlayer_lowered  }
0x9b: {  	s22 =	simm.s32 $0x1BFF;
	s21 =	sshll.u32 s5, $0x1;
	s2 =	sadd.s32 s19, s18  }
0x9c: {  	s6 =	simm.s32 $0x0;
	s20 =	sshll.u32 s4, $0x1;
	s4 =	sadd.s32 s21, s2  }
0x9d: {  	[timem:s6], [sflag:s22] =	dma.local [hbm:s4], s20  }
0x9e: {  	_ =	swait.ge [sflag:s22], s20  }
0x9f: {  	s3 =	ssub.s32 $0x0, s20;
	[sflag:s22] =	ssyncset.done $0x0  }
0xa0: {  	[sflag:s22] =	ssyncadd.s32 s3;
	_ =	sdelay $0x1  }
0xa1: {  	s23 =	simm.s32 $0x1B8B  }
0xa2: {  	_ =	swait.ge [sflag:s23], $0x1  }
0xa3: {  	[sflag:s23] =	ssyncset.done $0x0  }
0xa4: {  	s25 =	simm.s32 $0x1B8E;
	s24 =	sld [smem:$0x3FFE];
	[sflag:s23] =	ssyncadd.s32 $0xFFFFFFFF  }
0xa5: {  	s26 =	simm.s32 $execute0_lowered;
	[smem:$0x3FD2] =	sst s25  }
0xa6: {  	s4 =	sshll.u32 s26, $0x1;
	_ =	strace $0x80000049;
	[dreg:$0x1] =	wrdreg $0xFFFFFFFF  }
0xa7: {  	s28 =	simm.s32 $_size_execute0_lowered;
	s2 =	sadd.s32 s2, s4;
	[dreg:$0x0] =	wrdreg $0x0  }
0xa8: {  	s4 =	sshll.u32 s28, $0x1;
	[dreg:$0x2] =	wrdreg s2  }
0xa9: {  	[dreg:$0x3] =	wrdreg s4  }
0xaa: {  	[dreg:$0x4] =	wrdreg $0xC0  }
0xab: {  	_ =	task [dreg:s6], $0x5FFFF  }
0xac: {  	[dreg:$0x1] =	wrdreg $0xFFFFFFFF  }
0xad: {  	[dreg:$0x0] =	wrdreg $0x60  }
0xae: {  	[dreg:$0x2] =	wrdreg s24  }
0xaf: {  	[dreg:$0x3] =	wrdreg $0x0  }
0xb0: {  	[dreg:$0x4] =	wrdreg $0x9  }
0xb1: {  	_ =	task.clear_ibuf [dreg:s6], $0x5FFFF;
	_ =	strace $0x90000049  }
0xb2: {  	s29 =	simm.s32 $0x9;
	_ =	strace $0x8000004B  }
0xb3: {  	_ =	swait.ge [sflag:s29], $0x1  }
0xb4: {  	[sflag:s29] =	ssyncadd.s32 $0xFFFFFFFF  }
0xb5: {  	_ =	strace $0x9000004B  }
0xb6: {  	_ =	sfence  }
0xb7: {  	s30 =	sld [smem:$0x0];
	_ =	sdelay $0x2  }
0xb8: {  	s31 =	sshll.u32 s1, $0xD;
	s1 =	sshrl.u32 s1, $0x2  }
0xb9: {  	s3 =	sand.u32 $0x4000, s31;
	s1 =	sadd.s32 s1, s30  }
0xba: {  	s0 =	sor.u32 s3, s0;
	s1 =	sshll.u32 s1, $0x11  }
0xbb: {  	s0 =	sor.u32 s1, s0  }
0xbc: {  	s0 =	sadd.s32 $0x8F2B, s0  }
0xbd: {  	[sflag:s0] =	ssyncadd.remote.s32 $0x1  }
0xbe: {  	_ =	sfence.sel $0xFFFF  }
0xbf: {  	[dreg:$0x0] =	wrdreg $0xFFFFFFFF;
	(pc) =	sbr.abs _section_cstart, $3  }
0xc0: {  	[dreg:$0x1] =	wrdreg $0xFFFFFFFF  }
0xc1: {  	_ =	task.clear_ibuf [dreg:s6], $0x2FFFF;
	_ =	strace $0x9FFFFFFF  }
0xc2: {  	(tm) =	ssettm $0x7FFFFFFF  }
0xc3: {  	_ =	shalt  }
tec
execute0_lowered:
.L_overlay_start_1:
0x0: {  	(tag) =	ssettag $0x1  }
0x1: {  	s5 =	rddreg [dreg:$0x0];
	s1 =	srdreg.scid  }
0x2: {  	s0 =	stileid.u32;
	s2 =	rddreg [dreg:$0x1]  }
0x3: {  	s3 =	simm.s32 $0x0;
	s19 =	simm.s32 $0x2;
	s20 =	simm.s32 $0x14000  }
0x4: {  	s21 =	simm.s32 $0x14080;
	s22 =	simm.s32 $0x50;
	s7 =	smul.u32 $0x4E20, s0  }
0x5: {  	s6 =	sand.u32 $0x1, s1;
	s1 =	rddreg [dreg:$0x2];
	s9 =	smul.u32 $0x50000, s0  }
0x6: {  	s23 =	simm.s32 $0x14100;
	[smem:$0x7FF] =	sst s3;
	s10 =	smul.u32 $0x14000, s0  }
0x7: {  	s4 =	sadd.s32 $0x65E00, s5;
	s14 =	sadd.s32 $0x8D000, s5;
	s8 =	smul.u32 $0x2710, s6  }
0x8: {  	_ =	strace $0x8000004A;
	s24 =	ssub.s32 $0x2, s6;
	s12 =	smul.u32 $0x140000, s6  }
0x9: {  	s25 =	sshrl.u32 s24, $0x1;
	s26 =	sshrl.u32 s9, $0x2;
	s28 =	sadd.s32 $0x4000, s10  }
0xa: {  	s13 =	sadd.s32 $0x8000, s10;
	s16 =	sadd.s32 $0xC000, s10;
	s18 =	sadd.s32 $0x10000, s10  }
0xb: {  	s7 =	sadd.s32 s8, s7;
	s15 =	ssub.s32 s24, s25;
	s6 =	sadd.s32 s28, s2  }
0xc: {  	s8 =	sadd.s32 s16, s2;
	s11 =	sadd.s32 s10, s12;
	s30 =	sadd.s32 s12, s28  }
0xd: {  	s9 =	sadd.s32 s18, s2;
	s16 =	sadd.s32 s12, s16;
	s18 =	sadd.s32 s12, s18  }
0xe: {  	s24 =	simm.s32 $0x1;
	s25 =	simm.s32 $0x0;
	s7 =	sshrl.u32 s7, $0x3  }
0xf: {  	s29 =	sshrl.u32 s11, $0x3;
	s11 =	sshrl.u32 s30, $0x3;
	s16 =	sshrl.u32 s16, $0x3  }
0x10: {  	s31 =	sshrl.u32 s18, $0x3;
	s15 =	smax.u32 s15, $0x1;
	s18 =	simm.s32 $0x16900  }
0x11: {  	s17 =	sadd.s32 s7, s5;
	s7 =	sadd.s32 s13, s2;
	s13 =	sadd.s32 s12, s13  }
0x12: {  	s5 =	sadd.s32 s26, s2;
	s10 =	sadd.s32 s14, s29;
	s13 =	sshrl.u32 s13, $0x3  }
0x13: {  	s11 =	sadd.s32 s14, s11;
	s12 =	sadd.s32 s14, s13;
	s13 =	sadd.s32 s14, s16  }
0x14: {  	v0 =	vimm.f32 $0.0e+00;
	s14 =	sadd.s32 s14, s31;
	s16 =	sadd.s32 $0xC000, s17;
	s17 =	sadd.s32 $0x2200, s17  }
.LBB2_1:
0x15: {  	s26 =	simm.s32 $0x0;
	s28 =	simm.s32 $0x200  }
.LBB2_2:
0x16: {  	p0 =	sne.s32 s28, $0xFE00;
	[tilespmem:s26+$0x16970] =	vst v0  }
0x17: {  	[tilespmem:s26+$0x16900] =	vst v0  }
0x18: {  	[tilespmem:s26+$0x16910] =	vst v0  }
.Ltmp0:
0x19: {  	[tilespmem:s26+$0x16920] =	vst v0;
	(pc) =	sbr.rel @p0 .LBB2_2-.Ltmp0, $4  }
0x1a: {  	[tilespmem:s26+$0x16930] =	vst v0  }
0x1b: {  	[tilespmem:s26+$0x16940] =	vst v0  }
0x1c: {  	[tilespmem:s26+$0x16950] =	vst v0  }
0x1d: {  	[tilespmem:s26+$0x16960] =	vst v0;
	s26 =	sshra.s32 s28, $0x2;
	s28 =	sadd.s32 $0x200, s28  }
0x1e: {  	[tilespmem:s26+$0x16970] =	vst v0  }
0x1f: {  	[tilespmem:s26+$0x16900] =	vst v0  }
0x20: {  	[tilespmem:s26+$0x16910] =	vst v0  }
0x21: {  	[tilespmem:s26+$0x16920] =	vst v0  }
0x22: {  	[tilespmem:s26+$0x16930] =	vst v0  }
0x23: {  	[tilespmem:s26+$0x16940] =	vst v0  }
0x24: {  	[tilespmem:s26+$0x16950] =	vst v0  }
0x25: {  	[tilespmem:s26+$0x16960] =	vst v0  }
0x26: {  	[spmem:s5] =	stream.linear.scatter [tilespmem:s18], [sflag:$0x2], $0x4000, $0x38;
	[tilespmem:$0x1A900] =	vst v63  }
0x27: {  	_ =	swait.ge [sflag:s19], $0x4000  }
0x28: {  	[sflag:s19] =	ssyncset.done $0x0  }
0x29: {  	[sflag:s19] =	ssyncadd.s32 $0xFFFFC000  }
0x2a: {  	[spmem:s6] =	stream.linear.scatter [tilespmem:s18], [sflag:$0x2], $0x4000, $0x38;
	[tilespmem:$0x1A900] =	vst v63  }
0x2b: {  	_ =	swait.ge [sflag:s19], $0x4000  }
0x2c: {  	[sflag:s19] =	ssyncset.done $0x0  }
0x2d: {  	[sflag:s19] =	ssyncadd.s32 $0xFFFFC000  }
0x2e: {  	[spmem:s7] =	stream.linear.scatter [tilespmem:s18], [sflag:$0x2], $0x4000, $0x38;
	[tilespmem:$0x1A900] =	vst v63  }
0x2f: {  	_ =	swait.ge [sflag:s19], $0x4000  }
0x30: {  	[sflag:s19] =	ssyncset.done $0x0  }
0x31: {  	[sflag:s19] =	ssyncadd.s32 $0xFFFFC000  }
0x32: {  	[spmem:s8] =	stream.linear.scatter [tilespmem:s18], [sflag:$0x2], $0x4000, $0x38;
	[tilespmem:$0x1A900] =	vst v63  }
0x33: {  	_ =	swait.ge [sflag:s19], $0x4000  }
0x34: {  	[sflag:s19] =	ssyncset.done $0x0  }
0x35: {  	[sflag:s19] =	ssyncadd.s32 $0xFFFFC000  }
0x36: {  	[spmem:s9] =	stream.linear.scatter [tilespmem:s18], [sflag:$0x2], $0x4000, $0x38;
	[tilespmem:$0x1A900] =	vst v63  }
0x37: {  	_ =	swait.ge [sflag:s19], $0x4000  }
0x38: {  	[sflag:s19] =	ssyncset.done $0x0  }
0x39: {  	[sflag:s19] =	ssyncadd.s32 $0xFFFFC000  }
0x3a: {  	s30 =	sadd.s32 $0x0, s17;
	[bflag:$0x0] =	sbarrier.arrive $0xFFFF  }
0x3b: {  	[tilespmem:s20], [sflag:$0x2] =	stream.linear.gather [hbm4b:s30+s3], $0x50, $0x38;
	[tilespmem:$0x1A900] =	vst v63  }
0x3c: {  	_ =	swait.ge [sflag:s19], $0x50  }
0x3d: {  	[sflag:s19] =	ssyncset.done $0x0  }
0x3e: {  	s31 =	sadd.s32 $0x0, s16;
	[sflag:s19] =	ssyncadd.s32 $0xFFFFFFB0  }
0x3f: {  	[tilespmem:s21], [sflag:$0x2] =	stream.linear.gather [hbm4b:s31+s3], $0x50, $0x38;
	[tilespmem:$0x1A900] =	vst v63  }
0x40: {  	_ =	swait.ge [sflag:s19], $0x50  }
0x41: {  	[sflag:s19] =	ssyncset.done $0x0  }
0x42: {  	[sflag:s19] =	ssyncadd.s32 $0xFFFFFFB0  }
0x43: {  	[tilespmem:s23], [sflag:$0x1] =	stream.indirect.gather [hbm4b:s4+s22], $0x80, s20, s22, $0xb8;
	[tilespmem:$0x1A900] =	vst v63  }
0x44: {  	_ =	swait.ge [sflag:s24], $0x2800  }
0x45: {  	[sflag:s24] =	ssyncset.done $0x0  }
0x46: {  	[sflag:s24] =	ssyncadd.s32 $0xFFFFD800  }
0x47: {  	[spmem:s2] =	stream.indirect.scatter.add.f32 [tilespmem:s23], [sflag:$0x2], $0x80, s21, s22, $0xb8;
	[tilespmem:$0x1A900] =	vst v63  }
0x48: {  	_ =	swait.ge [sflag:s19], $0x2800  }
0x49: {  	s26 =	simm.s32 $0xA;
	s28 =	simm.s32 $0x14;
	[sflag:s19] =	ssyncset.done $0x0  }
.LBB2_4:
0x4a: {  	s29 =	sadd.s32 s26, s17  }
0x4b: {  	[sflag:s19] =	ssyncadd.s32 $0xFFFFD800;
	s30 =	smov.u32 s28;
	s31 =	sadd.s32 $0xA, s28  }
0x4c: {  	[tilespmem:s20], [sflag:$0x2] =	stream.linear.gather [hbm4b:s29+s3], $0x50, $0x38;
	[tilespmem:$0x1A900] =	vst v63  }
0x4d: {  	p0 =	sne.s32 s28, $0x4D8;
	_ =	swait.ge [sflag:s19], $0x50  }
0x4e: {  	[sflag:s19] =	ssyncset.done $0x0  }
0x4f: {  	s28 =	sadd.s32 s26, s16;
	s26 =	smov.u32 s30;
	[sflag:s19] =	ssyncadd.s32 $0xFFFFFFB0  }
0x50: {  	[tilespmem:s21], [sflag:$0x2] =	stream.linear.gather [hbm4b:s28+s3], $0x50, $0x38;
	[tilespmem:$0x1A900] =	vst v63  }
0x51: {  	_ =	swait.ge [sflag:s19], $0x50  }
0x52: {  	[sflag:s19] =	ssyncset.done $0x0  }
0x53: {  	[sflag:s19] =	ssyncadd.s32 $0xFFFFFFB0  }
0x54: {  	[tilespmem:s23], [sflag:$0x1] =	stream.indirect.gather [hbm4b:s4+s22], $0x80, s20, s22, $0xb8;
	[tilespmem:$0x1A900] =	vst v63  }
0x55: {  	_ =	swait.ge [sflag:s24], $0x2800  }
.Ltmp1:
0x56: {  	[sflag:s24] =	ssyncset.done $0x0;
	(pc) =	sbr.rel @p0 .LBB2_4-.Ltmp1, $4  }
0x57: {  	[sflag:s24] =	ssyncadd.s32 $0xFFFFD800  }
0x58: {  	[spmem:s2] =	stream.indirect.scatter.add.f32 [tilespmem:s23], [sflag:$0x2], $0x80, s21, s22, $0xb8;
	[tilespmem:$0x1A900] =	vst v63  }
0x59: {  	_ =	swait.ge [sflag:s19], $0x2800  }
0x5a: {  	s28 =	smov.u32 s31;
	[sflag:s19] =	ssyncset.done $0x0  }
0x5b: {  	s28 =	sadd.s32 s26, s17;
	[sflag:s19] =	ssyncadd.s32 $0xFFFFD800  }
0x5c: {  	[tilespmem:s20], [sflag:$0x2] =	stream.linear.gather [hbm4b:s28+s3], $0x50, $0x38;
	[tilespmem:$0x1A900] =	vst v63  }
0x5d: {  	_ =	swait.ge [sflag:s19], $0x50  }
0x5e: {  	[sflag:s19] =	ssyncset.done $0x0  }
0x5f: {  	s28 =	sadd.s32 s26, s16;
	[sflag:s19] =	ssyncadd.s32 $0xFFFFFFB0  }
0x60: {  	[tilespmem:s21], [sflag:$0x2] =	stream.linear.gather [hbm4b:s28+s3], $0x50, $0x38;
	[tilespmem:$0x1A900] =	vst v63  }
0x61: {  	_ =	swait.ge [sflag:s19], $0x50  }
0x62: {  	[sflag:s19] =	ssyncset.done $0x0  }
0x63: {  	[sflag:s19] =	ssyncadd.s32 $0xFFFFFFB0  }
0x64: {  	[tilespmem:s23], [sflag:$0x1] =	stream.indirect.gather [hbm4b:s4+s22], $0x80, s20, s22, $0xb8;
	[tilespmem:$0x1A900] =	vst v63  }
0x65: {  	_ =	swait.ge [sflag:s24], $0x2800  }
0x66: {  	[sflag:s24] =	ssyncset.done $0x0  }
0x67: {  	[sflag:s24] =	ssyncadd.s32 $0xFFFFD800  }
0x68: {  	[spmem:s2] =	stream.indirect.scatter.add.f32 [tilespmem:s23], [sflag:$0x2], $0x80, s21, s22, $0xb8;
	[tilespmem:$0x1A900] =	vst v63  }
0x69: {  	_ =	swait.ge [sflag:s19], $0x2800  }
0x6a: {  	[sflag:s19] =	ssyncset.done $0x0  }
0x6b: {  	s29 =	sshll.u32 s0, $0x6;
	[sflag:s19] =	ssyncadd.s32 $0xFFFFD800  }
0x6c: {  	s30 =	sshrl.u32 s5, $0x3;
	s26 =	sor.u32 $0x1C02, s29;
	[bflag:$0x0] =	sbarrier.arrive $0xFFFF  }
0x6d: {  	[hbm:s10], [sflag:s26] =	dma.local [spmem:s30], $0x800  }
0x6e: {  	_ =	swait.ge [sflag:s19], $0x800  }
0x6f: {  	[sflag:s19] =	ssyncset.done $0x0  }
0x70: {  	s31 =	sshrl.u32 s6, $0x3;
	[sflag:s19] =	ssyncadd.s32 $0xFFFFF800  }
0x71: {  	[hbm:s11], [sflag:s26] =	dma.local [spmem:s31], $0x800  }
0x72: {  	_ =	swait.ge [sflag:s19], $0x800  }
0x73: {  	[sflag:s19] =	ssyncset.done $0x0  }
0x74: {  	s29 =	sshrl.u32 s7, $0x3;
	[sflag:s19] =	ssyncadd.s32 $0xFFFFF800  }
0x75: {  	[hbm:s12], [sflag:s26] =	dma.local [spmem:s29], $0x800  }
0x76: {  	_ =	swait.ge [sflag:s19], $0x800  }
0x77: {  	[sflag:s19] =	ssyncset.done $0x0  }
0x78: {  	s30 =	sshrl.u32 s8, $0x3;
	[sflag:s19] =	ssyncadd.s32 $0xFFFFF800  }
0x79: {  	[hbm:s13], [sflag:s26] =	dma.local [spmem:s30], $0x800  }
0x7a: {  	s25 =	sadd.s32 $0x1, s25;
	_ =	swait.ge [sflag:s19], $0x800  }
0x7b: {  	p0 =	sne.s32 s25, s15;
	[sflag:s19] =	ssyncset.done $0x0  }
.Ltmp2:
0x7c: {  	s31 =	sshrl.u32 s9, $0x3;
	[sflag:s19] =	ssyncadd.s32 $0xFFFFF800;
	(pc) =	sbr.rel @p0 .LBB2_1-.Ltmp2, $4  }
0x7d: {  	[hbm:s14], [sflag:s26] =	dma.local [spmem:s31], $0x800  }
0x7e: {  	_ =	swait.ge [sflag:s19], $0x800  }
0x7f: {  	[sflag:s19] =	ssyncset.done $0x0  }
0x80: {  	[sflag:s19] =	ssyncadd.s32 $0xFFFFF800  }
0x81: {  	_ =	sfence.sel $0x180000  }
0x82: {  	[bflag:$0x0] =	sbarrier.arrive $0xFFFF  }
0x83: {  	p0 =	sne.s32 s0, $0x0;
	_ =	strace $0x9000004A  }
0x84: {  	s0 =	sadd.s32 @!p0 $0x100000, s1;
	[bflag:$0x2] =	sbarrier.arrive $0xFFFF  }
0x85: {  	[sflag:s0] =	ssyncadd.tile.s32 @!p0 $0x1;
	_ =	shalt  }
.Lfunc_end2:
_tile_overlayer_lowered:
.L_overlay_start_2:
0x86: {  	(tag) =	ssettag $0x2  }
0x87: {  	s0 =	rddreg [dreg:$0x0];
	s2 =	stileid.u32  }
0x88: {  	s1 =	rddreg [dreg:$0x1];
	p0 =	sne.s32 s2, $0x0  }
0x89: {  	s3 =	rddreg [dreg:$0x2];
	[bflag:$0x3] =	sbarrier.arrive $0xFFFF;
	s2 =	simm.s32 @!p0 $0x1C02  }
0x8a: {  	[timem:s3], [sflag:s2] =	dma.local @!p0 [hbm:s0], s1  }
0x8b: {  	s0 =	simm.s32 @!p0 $0x2  }
0x8c: {  	_ =	swait.ge @!p0 [sflag:s0], s1  }
0x8d: {  	s1 =	ssub.s32 @!p0 $0x0, s1;
	[sflag:s0] =	ssyncset.done @!p0 $0x0  }
0x8e: {  	[sflag:s0] =	ssyncadd.s32 @!p0 s1  }
0x8f: {  	[bflag:$0x3] =	sbarrier.arrive $0xFFFF  }
0x90: {  	_ =	shalt  }

// kernel: kernel.14.cloned.1.call-start
scs
__scs_entry_jumppad:
0x0: {  	(pc) =	sbr.rel $0x88, $3  }
0x1: {  	(tag) =	ssettag $0x0;
	lr =	simm.s32 $0x1  }
0x2: {  	[smem:$0x3F99] =	sst lr;
	_ =	strace $0xD0000000  }
0x3: {  	_ = 	snop  }
0x4: {  	_ = 	snop  }
0x5: {  	_ = 	snop  }
0x6: {  	_ = 	snop  }
0x7: {  	_ = 	snop  }
__scs_overlays_trampoline_lowered:
0x8: {  	[smem:$0x3FA8] =	sst s0  }
0x9: {  	[smem:$0x3FA9] =	sst s1  }
0xa: {  	[smem:$0x3FAA] =	sst s2  }
0xb: {  	[smem:$0x3FAB] =	sst s3  }
0xc: {  	[smem:$0x3FAC] =	sst s4  }
0xd: {  	[smem:$0x3FAD] =	sst s5  }
0xe: {  	[smem:$0x3FAE] =	sst s6  }
0xf: {  	[smem:$0x3FAF] =	sst s7  }
0x10: {  	[smem:$0x3FB0] =	sst s8  }
0x11: {  	[smem:$0x3FB1] =	sst s9;
	s0 =	simm.s32 @!p0 $0x0  }
0x12: {  	s1 =	sld [smem:$0x3F97];
	s0 =	simm.s32 @p0 $0x1  }
0x13: {  	[smem:$0x3FB2] =	sst s0;
	s0 =	simm.s32 @!p1 $0x0  }
0x14: {  	s2 =	sld [smem:$0x3F96];
	s0 =	simm.s32 @p1 $0x1  }
0x15: {  	[smem:$0x3FB3] =	sst s0;
	s0 =	simm.s32 @!p2 $0x0  }
0x16: {  	s3 =	sld [smem:$0x3FDB];
	s0 =	simm.s32 @p2 $0x1  }
0x17: {  	s4 =	simm.s32 $0x1BF5;
	[smem:$0x3FB5] =	sst s0  }
0x18: {  	s0 =	sld [smem:$0x3F98];
	_ =	swait.ge [sflag:s4], $0x0  }
0x19: {  	s7 =	sld [smem:$0x3F99]  }
0x1a: {  	s8 =	sadd.s32 $0xFFFFE003, lr  }
0x1b: {  	s9 =	sadd.s32 $0xFFFFFEF7, lr;
	s5 =	simm.s32 $0xFFFFFFFF;
	p2 =	slt.u32 s8, $0xFFFFF086  }
0x1c: {  	p1 =	slt.u32 s9, $0xF7A;
	s5 =	simm.s32 @!p2 $0x0  }
0x1d: {  	s5 =	simm.s32 @p1 $0x1;
	p0 =	seq.s32 s7, s2  }
0x1e: {  	s7 =	smul.u32 @!p0 $0xF7A, s2;
	p2 =	seq.s32 @!p0 s5, $0x0  }
0x1f: {  	s9 =	smul.u32 $0xF7A, s1;
	s8 =	simm.s32 @!p0 $0x1BF5;
	p2 =	por !p2, p0  }
0x20: {  	[sflag:s8] =	ssyncset.s32 @!p0 $0xFFFFF086;
	s6 =	sadd.s32 @!p0 s3, s7;
	s7 =	simm.s32 @!p0 $0x108  }
0x21: {  	s3 =	sadd.s32 s3, s9;
	s6 =	sadd.s32 @!p0 $0x88, s6;
	s7 =	simm.s32 @p2 $0x1082  }
0x22: {  	[simem:s7], [sflag:s8] =	dma.local @!p0 [hbm:s6], $0xF7A  }
0x23: {  	s9 =	sor.u32 $0xD0000000, s2;
	s6 =	simm.s32 $0x108;
	_ =	swait.ge @!p0 [sflag:s8], $0x0  }
0x24: {  	s3 =	sadd.s32 $0x88, s3;
	s6 =	simm.s32 @!p1 $0x1082;
	[sflag:s4] =	ssyncset.s32 $0xFFFFF086  }
0x25: {  	[simem:s6], [sflag:s4] =	dma.local [hbm:s3], $0xF7A  }
0x26: {  	[smem:$0x3F99] =	sst s1;
	(tag) =	ssettag s2;
	_ =	strace s9  }
0x27: {  	s1 =	sld [smem:$0x3FA9]  }
0x28: {  	s2 =	sld [smem:$0x3FAA]  }
0x29: {  	s4 =	sld [smem:$0x3FAC]  }
0x2a: {  	p0 =	seq.s32 s5, $0x0;
	s5 =	sld [smem:$0x3FAD]  }
0x2b: {  	s6 =	sld [smem:$0x3FAE]  }
0x2c: {  	s7 =	sld [smem:$0x3FAF]  }
0x2d: {  	s3 =	simm.s32 $0x108;
	s8 =	sld [smem:$0x3FB0]  }
0x2e: {  	s3 =	simm.s32 @!p0 $0x1082;
	s9 =	sld [smem:$0x3FB1]  }
0x2f: {  	lr =	sadd.s32 s0, s3;
	s0 =	sld [smem:$0x3FA8]  }
0x30: {  	s3 =	sld [smem:$0x3FAB]  }
0x31: {  	[smem:$0x3FB4] =	sst s10  }
0x32: {  	s10 =	sld [smem:$0x3FB2];
	_ =	sdelay $0x3  }
0x33: {  	p0 =	seq.s32 s10, $0x1;
	s10 =	sld [smem:$0x3FB4];
	_ =	sdelay $0x3  }
0x34: {  	[smem:$0x3FB4] =	sst s10  }
0x35: {  	s10 =	sld [smem:$0x3FB3];
	_ =	sdelay $0x3  }
0x36: {  	p1 =	seq.s32 s10, $0x1;
	s10 =	sld [smem:$0x3FB4];
	_ =	sdelay $0x3  }
0x37: {  	[smem:$0x3FB4] =	sst s10  }
0x38: {  	s10 =	sld [smem:$0x3FB5]  }
0x39: {  	_ = 	snop;
	(pc) =	sbr.ind lr, $3  }
0x3a: {  	_ = 	snop  }
0x3b: {  	_ = 	snop  }
0x3c: {  	p2 =	seq.s32 s10, $0x1;
	s10 =	sld [smem:$0x3FB4]  }
0x3d: {  	_ =	shalt  }
0x3e: {  	_ =	shalt  }
0x3f: {  	_ =	shalt  }
0x40: {  	_ =	shalt  }
0x41: {  	_ =	shalt  }
0x42: {  	_ =	shalt  }
0x43: {  	_ =	shalt  }
0x44: {  	_ =	shalt  }
0x45: {  	_ =	shalt  }
0x46: {  	_ =	shalt  }
0x47: {  	_ =	shalt  }
0x48: {  	_ =	shalt  }
0x49: {  	_ =	shalt  }
0x4a: {  	_ =	shalt  }
0x4b: {  	_ =	shalt  }
0x4c: {  	_ =	shalt  }
0x4d: {  	_ =	shalt  }
0x4e: {  	_ =	shalt  }
0x4f: {  	_ =	shalt  }
0x50: {  	_ =	shalt  }
0x51: {  	_ =	shalt  }
0x52: {  	_ =	shalt  }
0x53: {  	_ =	shalt  }
0x54: {  	_ =	shalt  }
0x55: {  	_ =	shalt  }
0x56: {  	_ =	shalt  }
0x57: {  	_ =	shalt  }
0x58: {  	_ =	shalt  }
0x59: {  	_ =	shalt  }
0x5a: {  	_ =	shalt  }
0x5b: {  	_ =	shalt  }
0x5c: {  	_ =	shalt  }
0x5d: {  	_ =	shalt  }
0x5e: {  	_ =	shalt  }
0x5f: {  	_ =	shalt  }
0x60: {  	_ =	shalt  }
0x61: {  	_ =	shalt  }
0x62: {  	_ =	shalt  }
0x63: {  	_ =	shalt  }
0x64: {  	_ =	shalt  }
0x65: {  	_ =	shalt  }
0x66: {  	_ =	shalt  }
0x67: {  	_ =	shalt  }
0x68: {  	_ =	shalt  }
0x69: {  	_ =	shalt  }
0x6a: {  	_ =	shalt  }
0x6b: {  	_ =	shalt  }
0x6c: {  	_ =	shalt  }
0x6d: {  	_ =	shalt  }
0x6e: {  	_ =	shalt  }
0x6f: {  	_ =	shalt  }
0x70: {  	_ =	shalt  }
0x71: {  	_ =	shalt  }
0x72: {  	_ =	shalt  }
0x73: {  	_ =	shalt  }
0x74: {  	_ =	shalt  }
0x75: {  	_ =	shalt  }
0x76: {  	_ =	shalt  }
0x77: {  	_ =	shalt  }
0x78: {  	_ =	shalt  }
0x79: {  	_ =	shalt  }
0x7a: {  	_ =	shalt  }
0x7b: {  	_ =	shalt  }
0x7c: {  	_ =	shalt  }
0x7d: {  	_ =	shalt  }
0x7e: {  	_ =	shalt  }
0x7f: {  	_ =	shalt  }
0x80: {  	_ =	shalt  }
0x81: {  	_ =	shalt  }
0x82: {  	_ =	shalt  }
0x83: {  	_ =	shalt  }
0x84: {  	_ =	shalt  }
0x85: {  	_ =	shalt  }
0x86: {  	_ =	shalt  }
0x87: {  	_ =	shalt  }
.Lfunc_end0:
.L_simem_size_0:
called_computation.2_lowered:
.L_overlay_start_0:
0x88: {  	s2 =	sld [smem:$0x3FD9]  }
0x89: {  	s3 =	sld [smem:$0x3FFE];
	_ =	sdelay $0x1  }
0x8a: {  	s1 =	srdreg.scid  }
0x8b: {  	s0 =	sand.u32 $0x1, s1  }
0x8c: {  	s16 =	sshll.u32 s0, $0xA;
	s2 =	sadd.s32 s3, s2  }
0x8d: {  	s2 =	sadd.s32 s2, s16  }
0x8e: {  	[smem:$0x3FC0] =	sst s2  }
0x8f: {  	_ = 	snop  }
0x90: {  	(tm) =	ssettm $0x1  }
0x91: {  	s17 =	sld [smem:$0x3FFB];
	_ =	sdelay $0x3  }
0x92: {  	_ =	strace s17  }
0x93: {  	s2 =	sld [smem:$0x3FFC];
	_ =	sdelay $0x3  }
0x94: {  	_ =	strace s2  }
0x95: {  	s2 =	sld [smem:$0x3FFD];
	_ =	sdelay $0x3  }
0x96: {  	_ =	strace s2  }
0x97: {  	_ =	strace $0x8FFFFFFF  }
0x98: {  	s18 =	sld [smem:$0x3FDB];
	_ =	sdelay $0x1  }
0x99: {  	s19 =	simm.s32 $_scs_section_size  }
0x9a: {  	s4 =	simm.s32 $_size__tile_overlayer_lowered;
	s5 =	simm.s32 $_tile_overlayer_lowered  }
0x9b: {  	s22 =	simm.s32 $0x1BFF;
	s21 =	sshll.u32 s5, $0x1;
	s2 =	sadd.s32 s19, s18  }
0x9c: {  	s6 =	simm.s32 $0x0;
	s20 =	sshll.u32 s4, $0x1;
	s4 =	sadd.s32 s21, s2  }
0x9d: {  	[timem:s6], [sflag:s22] =	dma.local [hbm:s4], s20  }
0x9e: {  	_ =	swait.ge [sflag:s22], s20  }
0x9f: {  	s3 =	ssub.s32 $0x0, s20;
	[sflag:s22] =	ssyncset.done $0x0  }
0xa0: {  	[sflag:s22] =	ssyncadd.s32 s3;
	_ =	sdelay $0x1  }
0xa1: {  	s23 =	simm.s32 $0x1B8B  }
0xa2: {  	_ =	swait.ge [sflag:s23], $0x1  }
0xa3: {  	[sflag:s23] =	ssyncset.done $0x0  }
0xa4: {  	s25 =	simm.s32 $0x1B8E;
	s24 =	sld [smem:$0x3FFE];
	[sflag:s23] =	ssyncadd.s32 $0xFFFFFFFF  }
0xa5: {  	s26 =	simm.s32 $execute0_lowered;
	[smem:$0x3FD2] =	sst s25  }
0xa6: {  	s4 =	sshll.u32 s26, $0x1;
	_ =	strace $0x8000004C;
	[dreg:$0x1] =	wrdreg $0xFFFFFFFF  }
0xa7: {  	s28 =	simm.s32 $_size_execute0_lowered;
	s2 =	sadd.s32 s2, s4;
	[dreg:$0x0] =	wrdreg $0x0  }
0xa8: {  	s4 =	sshll.u32 s28, $0x1;
	[dreg:$0x2] =	wrdreg s2  }
0xa9: {  	[dreg:$0x3] =	wrdreg s4  }
0xaa: {  	[dreg:$0x4] =	wrdreg $0xC0  }
0xab: {  	_ =	task [dreg:s6], $0x5FFFF  }
0xac: {  	[dreg:$0x1] =	wrdreg $0xFFFFFFFF  }
0xad: {  	[dreg:$0x0] =	wrdreg $0x60  }
0xae: {  	[dreg:$0x2] =	wrdreg s24  }
0xaf: {  	[dreg:$0x3] =	wrdreg $0x0  }
0xb0: {  	[dreg:$0x4] =	wrdreg $0x9  }
0xb1: {  	_ =	task.clear_ibuf [dreg:s6], $0x5FFFF;
	_ =	strace $0x9000004C  }
0xb2: {  	s29 =	simm.s32 $0x9;
	_ =	strace $0x8000004E  }
0xb3: {  	_ =	swait.ge [sflag:s29], $0x1  }
0xb4: {  	[sflag:s29] =	ssyncadd.s32 $0xFFFFFFFF  }
0xb5: {  	_ =	strace $0x9000004E  }
0xb6: {  	_ =	sfence  }
0xb7: {  	s30 =	sld [smem:$0x0];
	_ =	sdelay $0x2  }
0xb8: {  	s31 =	sshll.u32 s1, $0xD;
	s1 =	sshrl.u32 s1, $0x2  }
0xb9: {  	s3 =	sand.u32 $0x4000, s31;
	s1 =	sadd.s32 s1, s30  }
0xba: {  	s0 =	sor.u32 s3, s0;
	s1 =	sshll.u32 s1, $0x11  }
0xbb: {  	s0 =	sor.u32 s1, s0  }
0xbc: {  	s0 =	sadd.s32 $0x8F2B, s0  }
0xbd: {  	[sflag:s0] =	ssyncadd.remote.s32 $0x1  }
0xbe: {  	_ =	sfence.sel $0xFFFF  }
0xbf: {  	[dreg:$0x0] =	wrdreg $0xFFFFFFFF;
	(pc) =	sbr.abs _section_cstart, $3  }
0xc0: {  	[dreg:$0x1] =	wrdreg $0xFFFFFFFF  }
0xc1: {  	_ =	task.clear_ibuf [dreg:s6], $0x2FFFF;
	_ =	strace $0x9FFFFFFF  }
0xc2: {  	(tm) =	ssettm $0x7FFFFFFF  }
0xc3: {  	_ =	shalt  }
tec
execute0_lowered:
.L_overlay_start_1:
0x0: {  	(tag) =	ssettag $0x1  }
0x1: {  	s5 =	rddreg [dreg:$0x0];
	s1 =	srdreg.scid  }
0x2: {  	s0 =	stileid.u32;
	s2 =	rddreg [dreg:$0x1]  }
0x3: {  	s3 =	simm.s32 $0x0;
	s19 =	simm.s32 $0x2;
	s20 =	simm.s32 $0x14000  }
0x4: {  	s21 =	simm.s32 $0x14080;
	s22 =	simm.s32 $0x50;
	s7 =	smul.u32 $0x4E20, s0  }
0x5: {  	s6 =	sand.u32 $0x1, s1;
	s1 =	rddreg [dreg:$0x2];
	s9 =	smul.u32 $0x50000, s0  }
0x6: {  	s23 =	simm.s32 $0x14100;
	[smem:$0x7FF] =	sst s3;
	s10 =	smul.u32 $0x14000, s0  }
0x7: {  	s4 =	sadd.s32 $0x65E00, s5;
	s14 =	sadd.s32 $0x8D000, s5;
	s8 =	smul.u32 $0x2710, s6  }
0x8: {  	_ =	strace $0x8000004D;
	s24 =	ssub.s32 $0x2, s6;
	s12 =	smul.u32 $0x140000, s6  }
0x9: {  	s25 =	sshrl.u32 s24, $0x1;
	s26 =	sshrl.u32 s9, $0x2;
	s28 =	sadd.s32 $0x4000, s10  }
0xa: {  	s13 =	sadd.s32 $0x8000, s10;
	s16 =	sadd.s32 $0xC000, s10;
	s18 =	sadd.s32 $0x10000, s10  }
0xb: {  	s7 =	sadd.s32 s8, s7;
	s15 =	ssub.s32 s24, s25;
	s6 =	sadd.s32 s28, s2  }
0xc: {  	s8 =	sadd.s32 s16, s2;
	s11 =	sadd.s32 s10, s12;
	s30 =	sadd.s32 s12, s28  }
0xd: {  	s9 =	sadd.s32 s18, s2;
	s16 =	sadd.s32 s12, s16;
	s18 =	sadd.s32 s12, s18  }
0xe: {  	s24 =	simm.s32 $0x1;
	s25 =	simm.s32 $0x0;
	s7 =	sshrl.u32 s7, $0x3  }
0xf: {  	s29 =	sshrl.u32 s11, $0x3;
	s11 =	sshrl.u32 s30, $0x3;
	s16 =	sshrl.u32 s16, $0x3  }
0x10: {  	s31 =	sshrl.u32 s18, $0x3;
	s15 =	smax.u32 s15, $0x1;
	s18 =	simm.s32 $0x16900  }
0x11: {  	s17 =	sadd.s32 s7, s5;
	s7 =	sadd.s32 s13, s2;
	s13 =	sadd.s32 s12, s13  }
0x12: {  	s5 =	sadd.s32 s26, s2;
	s10 =	sadd.s32 s14, s29;
	s13 =	sshrl.u32 s13, $0x3  }
0x13: {  	s11 =	sadd.s32 s14, s11;
	s12 =	sadd.s32 s14, s13;
	s13 =	sadd.s32 s14, s16  }
0x14: {  	v0 =	vimm.f32 $0.0e+00;
	s14 =	sadd.s32 s14, s31;
	s16 =	sadd.s32 $0xC000, s17;
	s17 =	sadd.s32 $0x2200, s17  }
.LBB2_1:
0x15: {  	s26 =	simm.s32 $0x0;
	s28 =	simm.s32 $0x200  }
.LBB2_2:
0x16: {  	p0 =	sne.s32 s28, $0xFE00;
	[tilespmem:s26+$0x16970] =	vst v0  }
0x17: {  	[tilespmem:s26+$0x16900] =	vst v0  }
0x18: {  	[tilespmem:s26+$0x16910] =	vst v0  }
.Ltmp0:
0x19: {  	[tilespmem:s26+$0x16920] =	vst v0;
	(pc) =	sbr.rel @p0 .LBB2_2-.Ltmp0, $4  }
0x1a: {  	[tilespmem:s26+$0x16930] =	vst v0  }
0x1b: {  	[tilespmem:s26+$0x16940] =	vst v0  }
0x1c: {  	[tilespmem:s26+$0x16950] =	vst v0  }
0x1d: {  	[tilespmem:s26+$0x16960] =	vst v0;
	s26 =	sshra.s32 s28, $0x2;
	s28 =	sadd.s32 $0x200, s28  }
0x1e: {  	[tilespmem:s26+$0x16970] =	vst v0  }
0x1f: {  	[tilespmem:s26+$0x16900] =	vst v0  }
0x20: {  	[tilespmem:s26+$0x16910] =	vst v0  }
0x21: {  	[tilespmem:s26+$0x16920] =	vst v0  }
0x22: {  	[tilespmem:s26+$0x16930] =	vst v0  }
0x23: {  	[tilespmem:s26+$0x16940] =	vst v0  }
0x24: {  	[tilespmem:s26+$0x16950] =	vst v0  }
0x25: {  	[tilespmem:s26+$0x16960] =	vst v0  }
0x26: {  	[spmem:s5] =	stream.linear.scatter [tilespmem:s18], [sflag:$0x2], $0x4000, $0x38;
	[tilespmem:$0x1A900] =	vst v63  }
0x27: {  	_ =	swait.ge [sflag:s19], $0x4000  }
0x28: {  	[sflag:s19] =	ssyncset.done $0x0  }
0x29: {  	[sflag:s19] =	ssyncadd.s32 $0xFFFFC000  }
0x2a: {  	[spmem:s6] =	stream.linear.scatter [tilespmem:s18], [sflag:$0x2], $0x4000, $0x38;
	[tilespmem:$0x1A900] =	vst v63  }
0x2b: {  	_ =	swait.ge [sflag:s19], $0x4000  }
0x2c: {  	[sflag:s19] =	ssyncset.done $0x0  }
0x2d: {  	[sflag:s19] =	ssyncadd.s32 $0xFFFFC000  }
0x2e: {  	[spmem:s7] =	stream.linear.scatter [tilespmem:s18], [sflag:$0x2], $0x4000, $0x38;
	[tilespmem:$0x1A900] =	vst v63  }
0x2f: {  	_ =	swait.ge [sflag:s19], $0x4000  }
0x30: {  	[sflag:s19] =	ssyncset.done $0x0  }
0x31: {  	[sflag:s19] =	ssyncadd.s32 $0xFFFFC000  }
0x32: {  	[spmem:s8] =	stream.linear.scatter [tilespmem:s18], [sflag:$0x2], $0x4000, $0x38;
	[tilespmem:$0x1A900] =	vst v63  }
0x33: {  	_ =	swait.ge [sflag:s19], $0x4000  }
0x34: {  	[sflag:s19] =	ssyncset.done $0x0  }
0x35: {  	[sflag:s19] =	ssyncadd.s32 $0xFFFFC000  }
0x36: {  	[spmem:s9] =	stream.linear.scatter [tilespmem:s18], [sflag:$0x2], $0x4000, $0x38;
	[tilespmem:$0x1A900] =	vst v63  }
0x37: {  	_ =	swait.ge [sflag:s19], $0x4000  }
0x38: {  	[sflag:s19] =	ssyncset.done $0x0  }
0x39: {  	[sflag:s19] =	ssyncadd.s32 $0xFFFFC000  }
0x3a: {  	s30 =	sadd.s32 $0x0, s17;
	[bflag:$0x0] =	sbarrier.arrive $0xFFFF  }
0x3b: {  	[tilespmem:s20], [sflag:$0x2] =	stream.linear.gather [hbm4b:s30+s3], $0x50, $0x38;
	[tilespmem:$0x1A900] =	vst v63  }
0x3c: {  	_ =	swait.ge [sflag:s19], $0x50  }
0x3d: {  	[sflag:s19] =	ssyncset.done $0x0  }
0x3e: {  	s31 =	sadd.s32 $0x0, s16;
	[sflag:s19] =	ssyncadd.s32 $0xFFFFFFB0  }
0x3f: {  	[tilespmem:s21], [sflag:$0x2] =	stream.linear.gather [hbm4b:s31+s3], $0x50, $0x38;
	[tilespmem:$0x1A900] =	vst v63  }
0x40: {  	_ =	swait.ge [sflag:s19], $0x50  }
0x41: {  	[sflag:s19] =	ssyncset.done $0x0  }
0x42: {  	[sflag:s19] =	ssyncadd.s32 $0xFFFFFFB0  }
0x43: {  	[tilespmem:s23], [sflag:$0x1] =	stream.indirect.gather [hbm4b:s4+s22], $0x80, s20, s22, $0xb8;
	[tilespmem:$0x1A900] =	vst v63  }
0x44: {  	_ =	swait.ge [sflag:s24], $0x2800  }
0x45: {  	[sflag:s24] =	ssyncset.done $0x0  }
0x46: {  	[sflag:s24] =	ssyncadd.s32 $0xFFFFD800  }
0x47: {  	[spmem:s2] =	stream.indirect.scatter.add.f32 [tilespmem:s23], [sflag:$0x2], $0x80, s21, s22, $0xb8;
	[tilespmem:$0x1A900] =	vst v63  }
0x48: {  	_ =	swait.ge [sflag:s19], $0x2800  }
0x49: {  	s26 =	simm.s32 $0xA;
	s28 =	simm.s32 $0x14;
	[sflag:s19] =	ssyncset.done $0x0  }
.LBB2_4:
0x4a: {  	s29 =	sadd.s32 s26, s17  }
0x4b: {  	[sflag:s19] =	ssyncadd.s32 $0xFFFFD800;
	s30 =	smov.u32 s28;
	s31 =	sadd.s32 $0xA, s28  }
0x4c: {  	[tilespmem:s20], [sflag:$0x2] =	stream.linear.gather [hbm4b:s29+s3], $0x50, $0x38;
	[tilespmem:$0x1A900] =	vst v63  }
0x4d: {  	p0 =	sne.s32 s28, $0x4D8;
	_ =	swait.ge [sflag:s19], $0x50  }
0x4e: {  	[sflag:s19] =	ssyncset.done $0x0  }
0x4f: {  	s28 =	sadd.s32 s26, s16;
	s26 =	smov.u32 s30;
	[sflag:s19] =	ssyncadd.s32 $0xFFFFFFB0  }
0x50: {  	[tilespmem:s21], [sflag:$0x2] =	stream.linear.gather [hbm4b:s28+s3], $0x50, $0x38;
	[tilespmem:$0x1A900] =	vst v63  }
0x51: {  	_ =	swait.ge [sflag:s19], $0x50  }
0x52: {  	[sflag:s19] =	ssyncset.done $0x0  }
0x53: {  	[sflag:s19] =	ssyncadd.s32 $0xFFFFFFB0  }
0x54: {  	[tilespmem:s23], [sflag:$0x1] =	stream.indirect.gather [hbm4b:s4+s22], $0x80, s20, s22, $0xb8;
	[tilespmem:$0x1A900] =	vst v63  }
0x55: {  	_ =	swait.ge [sflag:s24], $0x2800  }
.Ltmp1:
0x56: {  	[sflag:s24] =	ssyncset.done $0x0;
	(pc) =	sbr.rel @p0 .LBB2_4-.Ltmp1, $4  }
0x57: {  	[sflag:s24] =	ssyncadd.s32 $0xFFFFD800  }
0x58: {  	[spmem:s2] =	stream.indirect.scatter.add.f32 [tilespmem:s23], [sflag:$0x2], $0x80, s21, s22, $0xb8;
	[tilespmem:$0x1A900] =	vst v63  }
0x59: {  	_ =	swait.ge [sflag:s19], $0x2800  }
0x5a: {  	s28 =	smov.u32 s31;
	[sflag:s19] =	ssyncset.done $0x0  }
0x5b: {  	s28 =	sadd.s32 s26, s17;
	[sflag:s19] =	ssyncadd.s32 $0xFFFFD800  }
0x5c: {  	[tilespmem:s20], [sflag:$0x2] =	stream.linear.gather [hbm4b:s28+s3], $0x50, $0x38;
	[tilespmem:$0x1A900] =	vst v63  }
0x5d: {  	_ =	swait.ge [sflag:s19], $0x50  }
0x5e: {  	[sflag:s19] =	ssyncset.done $0x0  }
0x5f: {  	s28 =	sadd.s32 s26, s16;
	[sflag:s19] =	ssyncadd.s32 $0xFFFFFFB0  }
0x60: {  	[tilespmem:s21], [sflag:$0x2] =	stream.linear.gather [hbm4b:s28+s3], $0x50, $0x38;
	[tilespmem:$0x1A900] =	vst v63  }
0x61: {  	_ =	swait.ge [sflag:s19], $0x50  }
0x62: {  	[sflag:s19] =	ssyncset.done $0x0  }
0x63: {  	[sflag:s19] =	ssyncadd.s32 $0xFFFFFFB0  }
0x64: {  	[tilespmem:s23], [sflag:$0x1] =	stream.indirect.gather [hbm4b:s4+s22], $0x80, s20, s22, $0xb8;
	[tilespmem:$0x1A900] =	vst v63  }
0x65: {  	_ =	swait.ge [sflag:s24], $0x2800  }
0x66: {  	[sflag:s24] =	ssyncset.done $0x0  }
0x67: {  	[sflag:s24] =	ssyncadd.s32 $0xFFFFD800  }
0x68: {  	[spmem:s2] =	stream.indirect.scatter.add.f32 [tilespmem:s23], [sflag:$0x2], $0x80, s21, s22, $0xb8;
	[tilespmem:$0x1A900] =	vst v63  }
0x69: {  	_ =	swait.ge [sflag:s19], $0x2800  }
0x6a: {  	[sflag:s19] =	ssyncset.done $0x0  }
0x6b: {  	s29 =	sshll.u32 s0, $0x6;
	[sflag:s19] =	ssyncadd.s32 $0xFFFFD800  }
0x6c: {  	s30 =	sshrl.u32 s5, $0x3;
	s26 =	sor.u32 $0x1C02, s29;
	[bflag:$0x0] =	sbarrier.arrive $0xFFFF  }
0x6d: {  	[hbm:s10], [sflag:s26] =	dma.local [spmem:s30], $0x800  }
0x6e: {  	_ =	swait.ge [sflag:s19], $0x800  }
0x6f: {  	[sflag:s19] =	ssyncset.done $0x0  }
0x70: {  	s31 =	sshrl.u32 s6, $0x3;
	[sflag:s19] =	ssyncadd.s32 $0xFFFFF800  }
0x71: {  	[hbm:s11], [sflag:s26] =	dma.local [spmem:s31], $0x800  }
0x72: {  	_ =	swait.ge [sflag:s19], $0x800  }
0x73: {  	[sflag:s19] =	ssyncset.done $0x0  }
0x74: {  	s29 =	sshrl.u32 s7, $0x3;
	[sflag:s19] =	ssyncadd.s32 $0xFFFFF800  }
0x75: {  	[hbm:s12], [sflag:s26] =	dma.local [spmem:s29], $0x800  }
0x76: {  	_ =	swait.ge [sflag:s19], $0x800  }
0x77: {  	[sflag:s19] =	ssyncset.done $0x0  }
0x78: {  	s30 =	sshrl.u32 s8, $0x3;
	[sflag:s19] =	ssyncadd.s32 $0xFFFFF800  }
0x79: {  	[hbm:s13], [sflag:s26] =	dma.local [spmem:s30], $0x800  }
0x7a: {  	s25 =	sadd.s32 $0x1, s25;
	_ =	swait.ge [sflag:s19], $0x800  }
0x7b: {  	p0 =	sne.s32 s25, s15;
	[sflag:s19] =	ssyncset.done $0x0  }
.Ltmp2:
0x7c: {  	s31 =	sshrl.u32 s9, $0x3;
	[sflag:s19] =	ssyncadd.s32 $0xFFFFF800;
	(pc) =	sbr.rel @p0 .LBB2_1-.Ltmp2, $4  }
0x7d: {  	[hbm:s14], [sflag:s26] =	dma.local [spmem:s31], $0x800  }
0x7e: {  	_ =	swait.ge [sflag:s19], $0x800  }
0x7f: {  	[sflag:s19] =	ssyncset.done $0x0  }
0x80: {  	[sflag:s19] =	ssyncadd.s32 $0xFFFFF800  }
0x81: {  	_ =	sfence.sel $0x180000  }
0x82: {  	[bflag:$0x0] =	sbarrier.arrive $0xFFFF  }
0x83: {  	p0 =	sne.s32 s0, $0x0;
	_ =	strace $0x9000004D  }
0x84: {  	s0 =	sadd.s32 @!p0 $0x100000, s1;
	[bflag:$0x2] =	sbarrier.arrive $0xFFFF  }
0x85: {  	[sflag:s0] =	ssyncadd.tile.s32 @!p0 $0x1;
	_ =	shalt  }
.Lfunc_end2:
_tile_overlayer_lowered:
.L_overlay_start_2:
0x86: {  	(tag) =	ssettag $0x2  }
0x87: {  	s0 =	rddreg [dreg:$0x0];
	s2 =	stileid.u32  }
0x88: {  	s1 =	rddreg [dreg:$0x1];
	p0 =	sne.s32 s2, $0x0  }
0x89: {  	s3 =	rddreg [dreg:$0x2];
	[bflag:$0x3] =	sbarrier.arrive $0xFFFF;
	s2 =	simm.s32 @!p0 $0x1C02  }
0x8a: {  	[timem:s3], [sflag:s2] =	dma.local @!p0 [hbm:s0], s1  }
0x8b: {  	s0 =	simm.s32 @!p0 $0x2  }
0x8c: {  	_ =	swait.ge @!p0 [sflag:s0], s1  }
0x8d: {  	s1 =	ssub.s32 @!p0 $0x0, s1;
	[sflag:s0] =	ssyncset.done @!p0 $0x0  }
0x8e: {  	[sflag:s0] =	ssyncadd.s32 @!p0 s1  }
0x8f: {  	[bflag:$0x3] =	sbarrier.arrive $0xFFFF  }
0x90: {  	_ =	shalt  }

// kernel: kernel.8.cloned.1.call-start
scs
__scs_entry_jumppad:
0x0: {  	(pc) =	sbr.rel $0x88, $3  }
0x1: {  	(tag) =	ssettag $0x0;
	lr =	simm.s32 $0x1  }
0x2: {  	[smem:$0x3F99] =	sst lr;
	_ =	strace $0xD0000000  }
0x3: {  	_ = 	snop  }
0x4: {  	_ = 	snop  }
0x5: {  	_ = 	snop  }
0x6: {  	_ = 	snop  }
0x7: {  	_ = 	snop  }
__scs_overlays_trampoline_lowered:
0x8: {  	[smem:$0x3FA8] =	sst s0  }
0x9: {  	[smem:$0x3FA9] =	sst s1  }
0xa: {  	[smem:$0x3FAA] =	sst s2  }
0xb: {  	[smem:$0x3FAB] =	sst s3  }
0xc: {  	[smem:$0x3FAC] =	sst s4  }
0xd: {  	[smem:$0x3FAD] =	sst s5  }
0xe: {  	[smem:$0x3FAE] =	sst s6  }
0xf: {  	[smem:$0x3FAF] =	sst s7  }
0x10: {  	[smem:$0x3FB0] =	sst s8  }
0x11: {  	[smem:$0x3FB1] =	sst s9;
	s0 =	simm.s32 @!p0 $0x0  }
0x12: {  	s1 =	sld [smem:$0x3F97];
	s0 =	simm.s32 @p0 $0x1  }
0x13: {  	[smem:$0x3FB2] =	sst s0;
	s0 =	simm.s32 @!p1 $0x0  }
0x14: {  	s2 =	sld [smem:$0x3F96];
	s0 =	simm.s32 @p1 $0x1  }
0x15: {  	[smem:$0x3FB3] =	sst s0;
	s0 =	simm.s32 @!p2 $0x0  }
0x16: {  	s3 =	sld [smem:$0x3FDB];
	s0 =	simm.s32 @p2 $0x1  }
0x17: {  	s4 =	simm.s32 $0x1BF5;
	[smem:$0x3FB5] =	sst s0  }
0x18: {  	s0 =	sld [smem:$0x3F98];
	_ =	swait.ge [sflag:s4], $0x0  }
0x19: {  	s7 =	sld [smem:$0x3F99]  }
0x1a: {  	s8 =	sadd.s32 $0xFFFFE003, lr  }
0x1b: {  	s9 =	sadd.s32 $0xFFFFFEF7, lr;
	s5 =	simm.s32 $0xFFFFFFFF;
	p2 =	slt.u32 s8, $0xFFFFF086  }
0x1c: {  	p1 =	slt.u32 s9, $0xF7A;
	s5 =	simm.s32 @!p2 $0x0  }
0x1d: {  	s5 =	simm.s32 @p1 $0x1;
	p0 =	seq.s32 s7, s2  }
0x1e: {  	s7 =	smul.u32 @!p0 $0xF7A, s2;
	p2 =	seq.s32 @!p0 s5, $0x0  }
0x1f: {  	s9 =	smul.u32 $0xF7A, s1;
	s8 =	simm.s32 @!p0 $0x1BF5;
	p2 =	por !p2, p0  }
0x20: {  	[sflag:s8] =	ssyncset.s32 @!p0 $0xFFFFF086;
	s6 =	sadd.s32 @!p0 s3, s7;
	s7 =	simm.s32 @!p0 $0x108  }
0x21: {  	s3 =	sadd.s32 s3, s9;
	s6 =	sadd.s32 @!p0 $0x88, s6;
	s7 =	simm.s32 @p2 $0x1082  }
0x22: {  	[simem:s7], [sflag:s8] =	dma.local @!p0 [hbm:s6], $0xF7A  }
0x23: {  	s9 =	sor.u32 $0xD0000000, s2;
	s6 =	simm.s32 $0x108;
	_ =	swait.ge @!p0 [sflag:s8], $0x0  }
0x24: {  	s3 =	sadd.s32 $0x88, s3;
	s6 =	simm.s32 @!p1 $0x1082;
	[sflag:s4] =	ssyncset.s32 $0xFFFFF086  }
0x25: {  	[simem:s6], [sflag:s4] =	dma.local [hbm:s3], $0xF7A  }
0x26: {  	[smem:$0x3F99] =	sst s1;
	(tag) =	ssettag s2;
	_ =	strace s9  }
0x27: {  	s1 =	sld [smem:$0x3FA9]  }
0x28: {  	s2 =	sld [smem:$0x3FAA]  }
0x29: {  	s4 =	sld [smem:$0x3FAC]  }
0x2a: {  	p0 =	seq.s32 s5, $0x0;
	s5 =	sld [smem:$0x3FAD]  }
0x2b: {  	s6 =	sld [smem:$0x3FAE]  }
0x2c: {  	s7 =	sld [smem:$0x3FAF]  }
0x2d: {  	s3 =	simm.s32 $0x108;
	s8 =	sld [smem:$0x3FB0]  }
0x2e: {  	s3 =	simm.s32 @!p0 $0x1082;
	s9 =	sld [smem:$0x3FB1]  }
0x2f: {  	lr =	sadd.s32 s0, s3;
	s0 =	sld [smem:$0x3FA8]  }
0x30: {  	s3 =	sld [smem:$0x3FAB]  }
0x31: {  	[smem:$0x3FB4] =	sst s10  }
0x32: {  	s10 =	sld [smem:$0x3FB2];
	_ =	sdelay $0x3  }
0x33: {  	p0 =	seq.s32 s10, $0x1;
	s10 =	sld [smem:$0x3FB4];
	_ =	sdelay $0x3  }
0x34: {  	[smem:$0x3FB4] =	sst s10  }
0x35: {  	s10 =	sld [smem:$0x3FB3];
	_ =	sdelay $0x3  }
0x36: {  	p1 =	seq.s32 s10, $0x1;
	s10 =	sld [smem:$0x3FB4];
	_ =	sdelay $0x3  }
0x37: {  	[smem:$0x3FB4] =	sst s10  }
0x38: {  	s10 =	sld [smem:$0x3FB5]  }
0x39: {  	_ = 	snop;
	(pc) =	sbr.ind lr, $3  }
0x3a: {  	_ = 	snop  }
0x3b: {  	_ = 	snop  }
0x3c: {  	p2 =	seq.s32 s10, $0x1;
	s10 =	sld [smem:$0x3FB4]  }
0x3d: {  	_ =	shalt  }
0x3e: {  	_ =	shalt  }
0x3f: {  	_ =	shalt  }
0x40: {  	_ =	shalt  }
0x41: {  	_ =	shalt  }
0x42: {  	_ =	shalt  }
0x43: {  	_ =	shalt  }
0x44: {  	_ =	shalt  }
0x45: {  	_ =	shalt  }
0x46: {  	_ =	shalt  }
0x47: {  	_ =	shalt  }
0x48: {  	_ =	shalt  }
0x49: {  	_ =	shalt  }
0x4a: {  	_ =	shalt  }
0x4b: {  	_ =	shalt  }
0x4c: {  	_ =	shalt  }
0x4d: {  	_ =	shalt  }
0x4e: {  	_ =	shalt  }
0x4f: {  	_ =	shalt  }
0x50: {  	_ =	shalt  }
0x51: {  	_ =	shalt  }
0x52: {  	_ =	shalt  }
0x53: {  	_ =	shalt  }
0x54: {  	_ =	shalt  }
0x55: {  	_ =	shalt  }
0x56: {  	_ =	shalt  }
0x57: {  	_ =	shalt  }
0x58: {  	_ =	shalt  }
0x59: {  	_ =	shalt  }
0x5a: {  	_ =	shalt  }
0x5b: {  	_ =	shalt  }
0x5c: {  	_ =	shalt  }
0x5d: {  	_ =	shalt  }
0x5e: {  	_ =	shalt  }
0x5f: {  	_ =	shalt  }
0x60: {  	_ =	shalt  }
0x61: {  	_ =	shalt  }
0x62: {  	_ =	shalt  }
0x63: {  	_ =	shalt  }
0x64: {  	_ =	shalt  }
0x65: {  	_ =	shalt  }
0x66: {  	_ =	shalt  }
0x67: {  	_ =	shalt  }
0x68: {  	_ =	shalt  }
0x69: {  	_ =	shalt  }
0x6a: {  	_ =	shalt  }
0x6b: {  	_ =	shalt  }
0x6c: {  	_ =	shalt  }
0x6d: {  	_ =	shalt  }
0x6e: {  	_ =	shalt  }
0x6f: {  	_ =	shalt  }
0x70: {  	_ =	shalt  }
0x71: {  	_ =	shalt  }
0x72: {  	_ =	shalt  }
0x73: {  	_ =	shalt  }
0x74: {  	_ =	shalt  }
0x75: {  	_ =	shalt  }
0x76: {  	_ =	shalt  }
0x77: {  	_ =	shalt  }
0x78: {  	_ =	shalt  }
0x79: {  	_ =	shalt  }
0x7a: {  	_ =	shalt  }
0x7b: {  	_ =	shalt  }
0x7c: {  	_ =	shalt  }
0x7d: {  	_ =	shalt  }
0x7e: {  	_ =	shalt  }
0x7f: {  	_ =	shalt  }
0x80: {  	_ =	shalt  }
0x81: {  	_ =	shalt  }
0x82: {  	_ =	shalt  }
0x83: {  	_ =	shalt  }
0x84: {  	_ =	shalt  }
0x85: {  	_ =	shalt  }
0x86: {  	_ =	shalt  }
0x87: {  	_ =	shalt  }
.Lfunc_end0:
.L_simem_size_0:
called_computation_lowered:
.L_overlay_start_0:
0x88: {  	s2 =	sld [smem:$0x3FD9]  }
0x89: {  	s3 =	sld [smem:$0x3FFE];
	_ =	sdelay $0x1  }
0x8a: {  	s1 =	srdreg.scid  }
0x8b: {  	s0 =	sand.u32 $0x1, s1  }
0x8c: {  	s16 =	sshll.u32 s0, $0xA;
	s2 =	sadd.s32 s3, s2  }
0x8d: {  	s2 =	sadd.s32 s2, s16  }
0x8e: {  	[smem:$0x3FC0] =	sst s2  }
0x8f: {  	_ = 	snop  }
0x90: {  	(tm) =	ssettm $0x1  }
0x91: {  	s17 =	sld [smem:$0x3FFB];
	_ =	sdelay $0x3  }
0x92: {  	_ =	strace s17  }
0x93: {  	s2 =	sld [smem:$0x3FFC];
	_ =	sdelay $0x3  }
0x94: {  	_ =	strace s2  }
0x95: {  	s2 =	sld [smem:$0x3FFD];
	_ =	sdelay $0x3  }
0x96: {  	_ =	strace s2  }
0x97: {  	_ =	strace $0x8FFFFFFF  }
0x98: {  	s18 =	sld [smem:$0x3FDB];
	_ =	sdelay $0x1  }
0x99: {  	s19 =	simm.s32 $_scs_section_size  }
0x9a: {  	s4 =	simm.s32 $_size__tile_overlayer_lowered;
	s5 =	simm.s32 $_tile_overlayer_lowered  }
0x9b: {  	s22 =	simm.s32 $0x1BFF;
	s21 =	sshll.u32 s5, $0x1;
	s2 =	sadd.s32 s19, s18  }
0x9c: {  	s6 =	simm.s32 $0x0;
	s20 =	sshll.u32 s4, $0x1;
	s4 =	sadd.s32 s21, s2  }
0x9d: {  	[timem:s6], [sflag:s22] =	dma.local [hbm:s4], s20  }
0x9e: {  	_ =	swait.ge [sflag:s22], s20  }
0x9f: {  	s3 =	ssub.s32 $0x0, s20;
	[sflag:s22] =	ssyncset.done $0x0  }
0xa0: {  	[sflag:s22] =	ssyncadd.s32 s3;
	_ =	sdelay $0x1  }
0xa1: {  	s23 =	simm.s32 $0x1B8B  }
0xa2: {  	_ =	swait.ge [sflag:s23], $0x1  }
0xa3: {  	[sflag:s23] =	ssyncset.done $0x0  }
0xa4: {  	s25 =	simm.s32 $0x1B8E;
	s24 =	sld [smem:$0x3FFE];
	[sflag:s23] =	ssyncadd.s32 $0xFFFFFFFF  }
0xa5: {  	s26 =	simm.s32 $execute0_lowered;
	[smem:$0x3FD2] =	sst s25  }
0xa6: {  	s4 =	sshll.u32 s26, $0x1;
	_ =	strace $0x80000046;
	[dreg:$0x1] =	wrdreg $0xFFFFFFFF  }
0xa7: {  	s28 =	simm.s32 $_size_execute0_lowered;
	s2 =	sadd.s32 s2, s4;
	[dreg:$0x0] =	wrdreg $0x0  }
0xa8: {  	s4 =	sshll.u32 s28, $0x1;
	[dreg:$0x2] =	wrdreg s2  }
0xa9: {  	[dreg:$0x3] =	wrdreg s4  }
0xaa: {  	[dreg:$0x4] =	wrdreg $0xC0  }
0xab: {  	_ =	task [dreg:s6], $0x5FFFF  }
0xac: {  	[dreg:$0x1] =	wrdreg $0xFFFFFFFF  }
0xad: {  	[dreg:$0x0] =	wrdreg $0x60  }
0xae: {  	[dreg:$0x2] =	wrdreg s24  }
0xaf: {  	[dreg:$0x3] =	wrdreg $0x0  }
0xb0: {  	[dreg:$0x4] =	wrdreg $0x9  }
0xb1: {  	_ =	task.clear_ibuf [dreg:s6], $0x5FFFF;
	_ =	strace $0x90000046  }
0xb2: {  	s29 =	simm.s32 $0x9;
	_ =	strace $0x80000048  }
0xb3: {  	_ =	swait.ge [sflag:s29], $0x1  }
0xb4: {  	[sflag:s29] =	ssyncadd.s32 $0xFFFFFFFF  }
0xb5: {  	_ =	strace $0x90000048  }
0xb6: {  	_ =	sfence  }
0xb7: {  	s30 =	sld [smem:$0x0];
	_ =	sdelay $0x2  }
0xb8: {  	s31 =	sshll.u32 s1, $0xD;
	s1 =	sshrl.u32 s1, $0x2  }
0xb9: {  	s3 =	sand.u32 $0x4000, s31;
	s1 =	sadd.s32 s1, s30  }
0xba: {  	s0 =	sor.u32 s3, s0;
	s1 =	sshll.u32 s1, $0x11  }
0xbb: {  	s0 =	sor.u32 s1, s0  }
0xbc: {  	s0 =	sadd.s32 $0x8F2B, s0  }
0xbd: {  	[sflag:s0] =	ssyncadd.remote.s32 $0x1  }
0xbe: {  	_ =	sfence.sel $0xFFFF  }
0xbf: {  	[dreg:$0x0] =	wrdreg $0xFFFFFFFF;
	(pc) =	sbr.abs _section_cstart, $3  }
0xc0: {  	[dreg:$0x1] =	wrdreg $0xFFFFFFFF  }
0xc1: {  	_ =	task.clear_ibuf [dreg:s6], $0x2FFFF;
	_ =	strace $0x9FFFFFFF  }
0xc2: {  	(tm) =	ssettm $0x7FFFFFFF  }
0xc3: {  	_ =	shalt  }
tec
execute0_lowered:
.L_overlay_start_1:
0x0: {  	(tag) =	ssettag $0x1  }
0x1: {  	s4 =	rddreg [dreg:$0x0]  }
0x2: {  	s1 =	srdreg.scid;
	s0 =	stileid.u32  }
0x3: {  	s2 =	rddreg [dreg:$0x1];
	s3 =	simm.s32 $0x0;
	s18 =	simm.s32 $0x2800  }
0x4: {  	s19 =	simm.s32 $0x50;
	s20 =	simm.s32 $0x2880;
	s6 =	smul.u32 $0x4E20, s0  }
0x5: {  	s5 =	sand.u32 $0x1, s1;
	s1 =	rddreg [dreg:$0x2];
	s8 =	smul.u32 $0x50000, s0  }
0x6: {  	s21 =	simm.s32 $0x0;
	[smem:$0x7FF] =	sst s3;
	s9 =	smul.u32 $0x14000, s0  }
0x7: {  	s13 =	sadd.s32 $0x15E00, s4;
	s7 =	smul.u32 $0x2710, s5;
	s24 =	ssub.s32 $0x2, s5  }
0x8: {  	_ =	strace $0x80000047;
	s11 =	smul.u32 $0x140000, s5;
	s25 =	sshrl.u32 s24, $0x1  }
0x9: {  	s26 =	sshrl.u32 s8, $0x2;
	s28 =	sadd.s32 $0x4000, s9;
	s12 =	sadd.s32 $0x8000, s9  }
0xa: {  	s16 =	sadd.s32 $0xC000, s9;
	s17 =	sadd.s32 $0x10000, s9;
	s6 =	sadd.s32 s7, s6  }
0xb: {  	s14 =	ssub.s32 s24, s25;
	s5 =	sadd.s32 s28, s2;
	s7 =	sadd.s32 s16, s2  }
0xc: {  	s10 =	sadd.s32 s9, s11;
	s30 =	sadd.s32 s11, s28;
	s8 =	sadd.s32 s17, s2  }
0xd: {  	s16 =	sadd.s32 s11, s16;
	s17 =	sadd.s32 s11, s17;
	s6 =	sshrl.u32 s6, $0x3  }
0xe: {  	s29 =	sshrl.u32 s10, $0x3;
	s10 =	sshrl.u32 s30, $0x3;
	s16 =	sshrl.u32 s16, $0x3  }
0xf: {  	s31 =	sshrl.u32 s17, $0x3;
	s14 =	smax.u32 s14, $0x1;
	s17 =	simm.s32 $0x1  }
0x10: {  	s15 =	sadd.s32 s6, s4;
	s6 =	sadd.s32 s12, s2;
	s12 =	sadd.s32 s11, s12  }
0x11: {  	s4 =	sadd.s32 s26, s2;
	s9 =	sadd.s32 s13, s29;
	s12 =	sshrl.u32 s12, $0x3  }
0x12: {  	s10 =	sadd.s32 s13, s10;
	s15 =	sadd.s32 $0xC000, s15;
	s11 =	sadd.s32 s13, s12  }
0x13: {  	v0 =	vimm.f32 $0.0e+00;
	v1 =	vimm.f32 $1.000000000e+00;
	s12 =	sadd.s32 s13, s16;
	s13 =	sadd.s32 s13, s31;
	s16 =	simm.s32 $0x5080  }
.LBB2_1:
0x14: {  	s22 =	simm.s32 $0x0  }
.LBB2_2:
0x15: {  	p0 =	sne.s32 s22, $0xFE00  }
.Ltmp0:
0x16: {  	_ = 	snop;
	(pc) =	sbr.rel @p0 .LBB2_2-.Ltmp0, $3  }
0x17: {  	_ =	sdelay $0x1  }
0x18: {  	s23 =	sshra.s32 s22, $0x2  }
0x19: {  	s22 =	sadd.s32 $0x200, s22;
	[tilespmem:s23+$0x5080] =	vst v0  }
0x1a: {  	s22 =	simm.s32 $0x200;
	s23 =	simm.s32 $0x0  }
.LBB2_4:
0x1b: {  	p0 =	sne.s32 s22, $0x9E00;
	[tilespmem:s23+$0x2880] =	vst v1;
	s23 =	smov.u32 s22;
	s22 =	sadd.s32 $0x200, s22  }
.Ltmp1:
0x1c: {  	(pc) =	sbr.rel @p0 .LBB2_4-.Ltmp1, $2  }
0x1d: {  	_ =	sdelay $0x2  }
0x1e: {  	s23 =	sshra.s32 s23, $0x2  }
0x1f: {  	[tilespmem:s23+$0x2880] =	vst v1  }
0x20: {  	[spmem:s4] =	stream.linear.scatter [tilespmem:s16], [sflag:$0x1], $0x4000, $0x38;
	[tilespmem:$0x9080] =	vst v63  }
0x21: {  	_ =	swait.ge [sflag:s17], $0x4000  }
0x22: {  	[sflag:s17] =	ssyncset.done $0x0  }
0x23: {  	[sflag:s17] =	ssyncadd.s32 $0xFFFFC000  }
0x24: {  	[spmem:s5] =	stream.linear.scatter [tilespmem:s16], [sflag:$0x1], $0x4000, $0x38;
	[tilespmem:$0x9080] =	vst v63  }
0x25: {  	_ =	swait.ge [sflag:s17], $0x4000  }
0x26: {  	[sflag:s17] =	ssyncset.done $0x0  }
0x27: {  	[sflag:s17] =	ssyncadd.s32 $0xFFFFC000  }
0x28: {  	[spmem:s6] =	stream.linear.scatter [tilespmem:s16], [sflag:$0x1], $0x4000, $0x38;
	[tilespmem:$0x9080] =	vst v63  }
0x29: {  	_ =	swait.ge [sflag:s17], $0x4000  }
0x2a: {  	[sflag:s17] =	ssyncset.done $0x0  }
0x2b: {  	[sflag:s17] =	ssyncadd.s32 $0xFFFFC000  }
0x2c: {  	[spmem:s7] =	stream.linear.scatter [tilespmem:s16], [sflag:$0x1], $0x4000, $0x38;
	[tilespmem:$0x9080] =	vst v63  }
0x2d: {  	_ =	swait.ge [sflag:s17], $0x4000  }
0x2e: {  	[sflag:s17] =	ssyncset.done $0x0  }
0x2f: {  	[sflag:s17] =	ssyncadd.s32 $0xFFFFC000  }
0x30: {  	[spmem:s8] =	stream.linear.scatter [tilespmem:s16], [sflag:$0x1], $0x4000, $0x38;
	[tilespmem:$0x9080] =	vst v63  }
0x31: {  	_ =	swait.ge [sflag:s17], $0x4000  }
0x32: {  	[sflag:s17] =	ssyncset.done $0x0  }
0x33: {  	[sflag:s17] =	ssyncadd.s32 $0xFFFFC000  }
0x34: {  	s22 =	sadd.s32 $0x0, s15;
	[bflag:$0x0] =	sbarrier.arrive $0xFFFF  }
0x35: {  	[tilespmem:s18], [sflag:$0x1] =	stream.linear.gather [hbm4b:s22+s3], $0x50, $0x38;
	[tilespmem:$0x9080] =	vst v63  }
0x36: {  	_ =	swait.ge [sflag:s17], $0x50  }
0x37: {  	[sflag:s17] =	ssyncset.done $0x0  }
0x38: {  	[sflag:s17] =	ssyncadd.s32 $0xFFFFFFB0  }
0x39: {  	[spmem:s2] =	stream.indirect.scatter.add.f32 [tilespmem:s20], [sflag:$0x1], $0x10, s18, s19, $0xb8;
	[tilespmem:$0x9080] =	vst v63  }
0x3a: {  	_ =	swait.ge [sflag:s17], $0x500  }
0x3b: {  	s23 =	simm.s32 $0x14;
	s22 =	simm.s32 $0xA;
	[sflag:s17] =	ssyncset.done $0x0  }
.LBB2_6:
0x3c: {  	s24 =	sadd.s32 s22, s15  }
0x3d: {  	[sflag:s17] =	ssyncadd.s32 $0xFFFFFB00;
	s22 =	smov.u32 s23;
	s25 =	sadd.s32 $0xA, s23  }
0x3e: {  	[tilespmem:s18], [sflag:$0x1] =	stream.linear.gather [hbm4b:s24+s3], $0x50, $0x38;
	[tilespmem:$0x9080] =	vst v63  }
0x3f: {  	p0 =	sne.s32 s23, $0x4D8;
	_ =	swait.ge [sflag:s17], $0x50  }
.Ltmp2:
0x40: {  	[sflag:s17] =	ssyncset.done $0x0;
	(pc) =	sbr.rel @p0 .LBB2_6-.Ltmp2, $4  }
0x41: {  	[sflag:s17] =	ssyncadd.s32 $0xFFFFFFB0  }
0x42: {  	[spmem:s2] =	stream.indirect.scatter.add.f32 [tilespmem:s20], [sflag:$0x1], $0x10, s18, s19, $0xb8;
	[tilespmem:$0x9080] =	vst v63  }
0x43: {  	_ =	swait.ge [sflag:s17], $0x500  }
0x44: {  	s23 =	smov.u32 s25;
	[sflag:s17] =	ssyncset.done $0x0  }
0x45: {  	s22 =	sadd.s32 s22, s15;
	[sflag:s17] =	ssyncadd.s32 $0xFFFFFB00  }
0x46: {  	[tilespmem:s18], [sflag:$0x1] =	stream.linear.gather [hbm4b:s22+s3], $0x50, $0x38;
	[tilespmem:$0x9080] =	vst v63  }
0x47: {  	_ =	swait.ge [sflag:s17], $0x50  }
0x48: {  	[sflag:s17] =	ssyncset.done $0x0  }
0x49: {  	[sflag:s17] =	ssyncadd.s32 $0xFFFFFFB0  }
0x4a: {  	[spmem:s2] =	stream.indirect.scatter.add.f32 [tilespmem:s20], [sflag:$0x1], $0x10, s18, s19, $0xb8;
	[tilespmem:$0x9080] =	vst v63  }
0x4b: {  	_ =	swait.ge [sflag:s17], $0x500  }
0x4c: {  	[sflag:s17] =	ssyncset.done $0x0  }
0x4d: {  	s26 =	sshll.u32 s0, $0x6;
	[sflag:s17] =	ssyncadd.s32 $0xFFFFFB00  }
0x4e: {  	s23 =	sshrl.u32 s4, $0x3;
	s22 =	sor.u32 $0x1C01, s26;
	[bflag:$0x0] =	sbarrier.arrive $0xFFFF  }
0x4f: {  	[hbm:s9], [sflag:s22] =	dma.local [spmem:s23], $0x800  }
0x50: {  	_ =	swait.ge [sflag:s17], $0x800  }
0x51: {  	[sflag:s17] =	ssyncset.done $0x0  }
0x52: {  	s28 =	sshrl.u32 s5, $0x3;
	[sflag:s17] =	ssyncadd.s32 $0xFFFFF800  }
0x53: {  	[hbm:s10], [sflag:s22] =	dma.local [spmem:s28], $0x800  }
0x54: {  	_ =	swait.ge [sflag:s17], $0x800  }
0x55: {  	[sflag:s17] =	ssyncset.done $0x0  }
0x56: {  	s29 =	sshrl.u32 s6, $0x3;
	[sflag:s17] =	ssyncadd.s32 $0xFFFFF800  }
0x57: {  	[hbm:s11], [sflag:s22] =	dma.local [spmem:s29], $0x800  }
0x58: {  	_ =	swait.ge [sflag:s17], $0x800  }
0x59: {  	[sflag:s17] =	ssyncset.done $0x0  }
0x5a: {  	s30 =	sshrl.u32 s7, $0x3;
	[sflag:s17] =	ssyncadd.s32 $0xFFFFF800  }
0x5b: {  	[hbm:s12], [sflag:s22] =	dma.local [spmem:s30], $0x800  }
0x5c: {  	s21 =	sadd.s32 $0x1, s21;
	_ =	swait.ge [sflag:s17], $0x800  }
0x5d: {  	p0 =	sne.s32 s21, s14;
	[sflag:s17] =	ssyncset.done $0x0  }
.Ltmp3:
0x5e: {  	s31 =	sshrl.u32 s8, $0x3;
	[sflag:s17] =	ssyncadd.s32 $0xFFFFF800;
	(pc) =	sbr.rel @p0 .LBB2_1-.Ltmp3, $4  }
0x5f: {  	[hbm:s13], [sflag:s22] =	dma.local [spmem:s31], $0x800  }
0x60: {  	_ =	swait.ge [sflag:s17], $0x800  }
0x61: {  	[sflag:s17] =	ssyncset.done $0x0  }
0x62: {  	[sflag:s17] =	ssyncadd.s32 $0xFFFFF800  }
0x63: {  	_ =	sfence.sel $0x180000  }
0x64: {  	[bflag:$0x0] =	sbarrier.arrive $0xFFFF  }
0x65: {  	p0 =	sne.s32 s0, $0x0;
	_ =	strace $0x90000047  }
0x66: {  	s0 =	sadd.s32 @!p0 $0x100000, s1;
	[bflag:$0x2] =	sbarrier.arrive $0xFFFF  }
0x67: {  	[sflag:s0] =	ssyncadd.tile.s32 @!p0 $0x1;
	_ =	shalt  }
.Lfunc_end2:
_tile_overlayer_lowered:
.L_overlay_start_2:
0x68: {  	(tag) =	ssettag $0x2  }
0x69: {  	s0 =	rddreg [dreg:$0x0];
	s2 =	stileid.u32  }
0x6a: {  	s1 =	rddreg [dreg:$0x1];
	p0 =	sne.s32 s2, $0x0  }
0x6b: {  	s3 =	rddreg [dreg:$0x2];
	[bflag:$0x3] =	sbarrier.arrive $0xFFFF;
	s2 =	simm.s32 @!p0 $0x1C01  }
0x6c: {  	[timem:s3], [sflag:s2] =	dma.local @!p0 [hbm:s0], s1  }
0x6d: {  	s0 =	simm.s32 @!p0 $0x1  }
0x6e: {  	_ =	swait.ge @!p0 [sflag:s0], s1  }
0x6f: {  	s1 =	ssub.s32 @!p0 $0x0, s1;
	[sflag:s0] =	ssyncset.done @!p0 $0x0  }
0x70: {  	[sflag:s0] =	ssyncadd.s32 @!p0 s1  }
0x71: {  	[bflag:$0x3] =	sbarrier.arrive $0xFFFF  }
0x72: {  	_ =	shalt  }

</sc_bundles>
